<compile_context>
chip_gen: v7x
topology: tpu7x:2x2x1
jax: 0.10.2.dev20260603
libtpu: 0.0.44.dev20260713+nightly
codegen_flags: <defaults>
</compile_context>

<pallas_src>
import functools
import math

import jax
import jax.numpy as jnp
from jax import lax
from jax.experimental import pallas as pl
from jax.experimental.pallas import tpu as pltpu
from jax.experimental.pallas import tpu_sc as plsc

BATCH = 16384
EMB = 128
_BN_INV = 1.0 / math.sqrt(1.0 + 1e-5)

_NC = 2
_NS = 16
_NW = _NC * _NS
_NSPLIT = 2
_SUB = BATCH // _NSPLIT
_BPW = _SUB // _NW
_CHUNK = 128
_NCH = _BPW // _CHUNK


def _sc_gather_body(uidx_hbm, midx_hbm, ut_hbm, mt_hbm, ue_out, me_out,
                    idx_v, rows_v, sem):
    wid = lax.axis_index("s") * _NC + lax.axis_index("c")
    base = wid * _BPW
    crow = wid * _NCH
    for idx_hbm, table, out in ((uidx_hbm, ut_hbm, ue_out),
                                (midx_hbm, mt_hbm, me_out)):
        pltpu.sync_copy(idx_hbm.at[pl.ds(crow, _NCH)], idx_v)
        copies = []
        for j in range(_NCH):
            copies.append(pltpu.async_copy(
                table.at[idx_v.at[j]],
                rows_v.at[pl.ds(j * _CHUNK, _CHUNK)], sem))
        for c in copies:
            c.wait()
        pltpu.sync_copy(rows_v, out.at[pl.ds(base, _BPW)])


def _sc_gather(uidx, midx, user_table, movie_table):
    mesh = plsc.VectorSubcoreMesh(core_axis_name="c", subcore_axis_name="s")
    f = pl.kernel(
        _sc_gather_body, mesh=mesh,
        out_type=(jax.ShapeDtypeStruct((_SUB, EMB), jnp.float32),
                  jax.ShapeDtypeStruct((_SUB, EMB), jnp.float32)),
        scratch_types=[
            pltpu.VMEM((_NCH, _CHUNK), jnp.int32),
            pltpu.VMEM((_BPW, EMB), jnp.float32),
            pltpu.SemaphoreType.DMA,
        ],
    )
    return f(uidx, midx, user_table, movie_table)


_BLK = 2048
_NB = _SUB // _BLK


def _mlp_body(ue, me, W1, b1, W2, b2, W3, b3, W4, b4, W5, b5,
              g1, be1, g2, be2, g3, be3, g4, be4, out_ref):
    f32 = jnp.float32
    z = (jnp.dot(ue[...], W1[0:EMB, :], preferred_element_type=f32)
         + jnp.dot(me[...], W1[EMB:2 * EMB, :], preferred_element_type=f32)
         + b1[...])
    h = jnp.maximum(z, 0.0) * (g1[...] * _BN_INV) + be1[...]
    z = jnp.dot(h, W2[...], preferred_element_type=f32) + b2[...]
    h = jnp.maximum(z, 0.0) * (g2[...] * _BN_INV) + be2[...]
    z = jnp.dot(h, W3[...], preferred_element_type=f32) + b3[...]
    h = jnp.maximum(z, 0.0) * (g3[...] * _BN_INV) + be3[...]
    z = jnp.dot(h, W4[...], preferred_element_type=f32) + b4[...]
    h = jnp.maximum(z, 0.0) * (g4[...] * _BN_INV) + be4[...]
    z = jnp.dot(h, W5[...], preferred_element_type=f32) + b5[...]
    out_ref[...] = 1.0 / (1.0 + jnp.exp(-z))


def _mlp(ue, me, W1, b1, W2, b2, W3, b3, W4, b4, W5, b5,
         g1, be1, g2, be2, g3, be3, g4, be4):
    def row_spec(shape):
        return pl.BlockSpec(shape, lambda i: (i, 0))

    def full_spec(shape):
        return pl.BlockSpec(shape, lambda i: (0, 0))

    in_specs = [
        row_spec((_BLK, EMB)), row_spec((_BLK, EMB)),
        full_spec((2 * EMB, 512)), full_spec((1, 512)),
        full_spec((512, 256)), full_spec((1, 256)),
        full_spec((256, 128)), full_spec((1, 128)),
        full_spec((128, 64)), full_spec((1, 64)),
        full_spec((64, 1)), full_spec((1, 1)),
        full_spec((1, 512)), full_spec((1, 512)),
        full_spec((1, 256)), full_spec((1, 256)),
        full_spec((1, 128)), full_spec((1, 128)),
        full_spec((1, 64)), full_spec((1, 64)),
    ]
    return pl.pallas_call(
        _mlp_body,
        grid=(_NB,),
        in_specs=in_specs,
        out_specs=pl.BlockSpec((_BLK, 1), lambda i: (i, 0)),
        out_shape=jax.ShapeDtypeStruct((_SUB, 1), jnp.float32),
    )(ue, me, W1, b1.reshape(1, -1), W2, b2.reshape(1, -1),
      W3, b3.reshape(1, -1), W4, b4.reshape(1, -1), W5, b5.reshape(1, -1),
      g1.reshape(1, -1), be1.reshape(1, -1), g2.reshape(1, -1),
      be2.reshape(1, -1), g3.reshape(1, -1), be3.reshape(1, -1),
      g4.reshape(1, -1), be4.reshape(1, -1))


def kernel(users, movies, user_table, movie_table, W1, b1, W2, b2, W3, b3,
           W4, b4, W5, b5, g1, be1, g2, be2, g3, be3, g4, be4):
    uidx = users.astype(jnp.int32).reshape(_NSPLIT, _SUB // _CHUNK, _CHUNK)
    midx = movies.astype(jnp.int32).reshape(_NSPLIT, _SUB // _CHUNK, _CHUNK)
    outs = []
    for c in range(_NSPLIT):
        ue, me = _sc_gather(uidx[c], midx[c], user_table, movie_table)
        outs.append(_mlp(ue, me, W1, b1, W2, b2, W3, b3, W4, b4, W5, b5,
                         g1, be1, g2, be2, g3, be3, g4, be4))
    return jnp.concatenate(outs, axis=0).reshape(BATCH)

# --- scband reference (transcript-rebuilt; emitter-appended) ---
"""Pipeline reference for scband-deep-recommender-system-1219770712737 (READ-ONLY COPY).

The authoritative reference and input builder live on the scoring server;
editing this copy changes nothing except your own understanding.
"""

import jax, jax.numpy as jnp
import numpy as np

NUM_USERS = 100000
NUM_MOVIES = 100000
EMB = 128
BATCH = 16384
EPS = 1e-5

def _xavier(key, fan_in, fan_out):
    limit = float(np.sqrt(6.0 / (fan_in + fan_out)))
    return jax.random.uniform(key, (fan_in, fan_out), minval=-limit, maxval=limit, dtype=jnp.float32)

def setup_inputs(seed: int = 0) -> dict:
    key = jax.random.key(seed)
    ks = jax.random.split(key, 12)
    users = jax.random.randint(ks[0], (BATCH,), 0, NUM_USERS, dtype=jnp.int64 if jax.config.read('jax_enable_x64') else jnp.int32)
    movies = jax.random.randint(ks[1], (BATCH,), 0, NUM_MOVIES, dtype=jnp.int64 if jax.config.read('jax_enable_x64') else jnp.int32)
    user_table = jax.random.normal(ks[2], (NUM_USERS, EMB), dtype=jnp.float32)
    movie_table = jax.random.normal(ks[3], (NUM_MOVIES, EMB), dtype=jnp.float32)
    dims = [2 * EMB, 512, 256, 128, 64, 1]
    params = {}
    for i in range(5):
        params['W%d' % (i + 1)] = _xavier(ks[4 + i], dims[i], dims[i + 1])
        params['b%d' % (i + 1)] = jnp.zeros((dims[i + 1],), dtype=jnp.float32)
    for i in range(4):
        params['g%d' % (i + 1)] = jnp.ones((dims[i + 1],), dtype=jnp.float32)
        params['be%d' % (i + 1)] = jnp.zeros((dims[i + 1],), dtype=jnp.float32)
    out = {'users': users, 'movies': movies, 'user_table': user_table, 'movie_table': movie_table}
    out.update(params)
    return out

def _bn_eval(x, gamma, beta):
    # BatchNorm1d in eval mode with running_mean=0, running_var=1
    return gamma * (x / jnp.sqrt(1.0 + EPS)) + beta

def reference(users, movies, user_table, movie_table,
              W1, b1, W2, b2, W3, b3, W4, b4, W5, b5,
              g1, be1, g2, be2, g3, be3, g4, be4):
    ue = jnp.take(user_table, users, axis=0)
    me = jnp.take(movie_table, movies, axis=0)
    h = jnp.concatenate([ue, me], axis=1)
    h = _bn_eval(jax.nn.relu(h @ W1 + b1), g1, be1)
    h = _bn_eval(jax.nn.relu(h @ W2 + b2), g2, be2)
    h = _bn_eval(jax.nn.relu(h @ W3 + b3), g3, be3)
    h = _bn_eval(jax.nn.relu(h @ W4 + b4), g4, be4)
    h = jax.nn.sigmoid(h @ W5 + b5)
    return jnp.squeeze(h, axis=-1)

if __name__ == "__main__":
    import jax
    _d = setup_inputs()
    print(jax.jit(kernel)(*tuple(_d.values())))

</pallas_src>

<mosaic_0001>
#map = affine_map<(d0, d1) -> (0, 0)>
module attributes {stable_mosaic.version = 14 : i64} {
  func.func @_sc_gather_body(%arg0: i32, %arg1: i32, %arg2: memref<64x128xi32, #tpu.memory_space<hbm>>, %arg3: memref<64x128xi32, #tpu.memory_space<hbm>>, %arg4: memref<100000x128xf32, #tpu.memory_space<hbm>>, %arg5: memref<100000x128xf32, #tpu.memory_space<hbm>>, %arg6: memref<8192x128xf32, #tpu.memory_space<hbm>>, %arg7: memref<8192x128xf32, #tpu.memory_space<hbm>>, %arg8: memref<2x128xi32, #tpu.memory_space<vmem>>, %arg9: memref<256x128xf32, #tpu.memory_space<vmem>>, %arg10: memref<!tpu.dma_semaphore, #tpu.memory_space<semaphore_mem>>) attributes {dimension_semantics = [#tpu.dimension_semantics<core_parallel>, #tpu.dimension_semantics<subcore_parallel>], iteration_bounds = array<i64: 2, 16>, scalar_prefetch = 0 : i64, scratch_operands = 3 : i64, tpu.core_type = #tpu.core_type<sc_vector_subcore>, window_params = [{transform_indices = #map}, {transform_indices = #map}, {transform_indices = #map}, {transform_indices = #map}, {transform_indices = #map}, {transform_indices = #map}]} {
    %mul3A = arith.constant 2 : i32
    %mul3A_0 = arith.muli %arg1, %mul3A : i32
    %add3A = arith.addi %mul3A_0, %arg0 : i32
    %mul3A_1 = arith.constant 256 : i32
    %mul3A_2 = arith.muli %add3A, %mul3A_1 : i32
    %mul3A_3 = arith.constant 2 : i32
    %mul3A_4 = arith.muli %add3A, %mul3A_3 : i32
    "tpu.region"() ({
      %run_scoped3A = tpu.sem_alloc : memref<!tpu.dma_semaphore, #tpu.memory_space<semaphore_mem>>
      %dma_start3A_83 = arith.constant 0 : i32
      %dma_start3A_84 = tpu.memref_slice %arg2[%mul3A_4, %dma_start3A_83] : memref<64x128xi32, #tpu.memory_space<hbm>> -> memref<2x128xi32, #tpu.memory_space<hbm>>
      %dma_start3A_85 = arith.constant 0 : i32
      %dma_start3A_86 = tpu.memref_slice %arg2[%mul3A_4, %dma_start3A_85] : memref<64x128xi32, #tpu.memory_space<hbm>> -> memref<2x128xi32, #tpu.memory_space<hbm>>
      tpu.enqueue_dma source(%dma_start3A_86 : memref<2x128xi32, #tpu.memory_space<hbm>>) target(%arg8 : memref<2x128xi32, #tpu.memory_space<vmem>>) target_semaphore(%run_scoped3A : memref<!tpu.dma_semaphore, #tpu.memory_space<semaphore_mem>>)
      %dma_wait3A_87 = arith.constant 0 : i32
      %dma_wait3A_88 = tpu.memref_slice %arg2[%mul3A_4, %dma_wait3A_87] : memref<64x128xi32, #tpu.memory_space<hbm>> -> memref<2x128xi32, #tpu.memory_space<hbm>>
      %dma_wait3A_89 = arith.constant 0 : i32
      %dma_wait3A_90 = tpu.memref_slice %arg2[%mul3A_4, %dma_wait3A_89] : memref<64x128xi32, #tpu.memory_space<hbm>> -> memref<2x128xi32, #tpu.memory_space<hbm>>
      tpu.wait_dma2 semaphore(%run_scoped3A : memref<!tpu.dma_semaphore, #tpu.memory_space<semaphore_mem>>) src(%dma_wait3A_90 : memref<2x128xi32, #tpu.memory_space<hbm>>) dst(%arg8 : memref<2x128xi32, #tpu.memory_space<vmem>>)
      tpu.yield
    }) : () -> ()
    %dma_start3A = arith.constant 0 : i32
    %dma_start3A_5 = arith.constant 0 : i32
    %dma_start3A_6 = arith.constant 0 : i32
    %dma_start3A_7 = tpu.memref_slice %arg9[%dma_start3A_5, %dma_start3A_6] : memref<256x128xf32, #tpu.memory_space<vmem>> -> memref<128x128xf32, #tpu.memory_space<vmem>>
    %dma_start3A_8 = arith.constant 0 : i32
    %dma_start3A_9 = tpu.memref_slice %arg8[%dma_start3A, %dma_start3A_8] : memref<2x128xi32, #tpu.memory_space<vmem>> -> memref<1x128xi32, #tpu.memory_space<vmem>>
    %dma_start3A_10 = tpu.memref_squeeze %dma_start3A_9 : memref<1x128xi32, #tpu.memory_space<vmem>> -> memref<128xi32, #tpu.memory_space<vmem>>
    %dma_start3A_11 = arith.constant 0 : i32
    %dma_start3A_12 = arith.constant 0 : i32
    %dma_start3A_13 = tpu.memref_slice %arg4[%dma_start3A_11, %dma_start3A_12] : memref<100000x128xf32, #tpu.memory_space<hbm>> -> memref<100000x128xf32, #tpu.memory_space<hbm>>
    tpu.enqueue_indirect_dma source(%dma_start3A_13 : memref<100000x128xf32, #tpu.memory_space<hbm>>) target(%dma_start3A_7 : memref<128x128xf32, #tpu.memory_space<vmem>>) offsets(%dma_start3A_10 : memref<128xi32, #tpu.memory_space<vmem>>) semaphore(%arg10 : memref<!tpu.dma_semaphore, #tpu.memory_space<semaphore_mem>>)
    %dma_start3A_14 = arith.constant 1 : i32
    %dma_start3A_15 = arith.constant 128 : i32
    %dma_start3A_16 = arith.constant 0 : i32
    %dma_start3A_17 = tpu.memref_slice %arg9[%dma_start3A_15, %dma_start3A_16] : memref<256x128xf32, #tpu.memory_space<vmem>> -> memref<128x128xf32, #tpu.memory_space<vmem>>
    %dma_start3A_18 = arith.constant 0 : i32
    %dma_start3A_19 = tpu.memref_slice %arg8[%dma_start3A_14, %dma_start3A_18] : memref<2x128xi32, #tpu.memory_space<vmem>> -> memref<1x128xi32, #tpu.memory_space<vmem>>
    %dma_start3A_20 = tpu.memref_squeeze %dma_start3A_19 : memref<1x128xi32, #tpu.memory_space<vmem>> -> memref<128xi32, #tpu.memory_space<vmem>>
    %dma_start3A_21 = arith.constant 0 : i32
    %dma_start3A_22 = arith.constant 0 : i32
    %dma_start3A_23 = tpu.memref_slice %arg4[%dma_start3A_21, %dma_start3A_22] : memref<100000x128xf32, #tpu.memory_space<hbm>> -> memref<100000x128xf32, #tpu.memory_space<hbm>>
    tpu.enqueue_indirect_dma source(%dma_start3A_23 : memref<100000x128xf32, #tpu.memory_space<hbm>>) target(%dma_start3A_17 : memref<128x128xf32, #tpu.memory_space<vmem>>) offsets(%dma_start3A_20 : memref<128xi32, #tpu.memory_space<vmem>>) semaphore(%arg10 : memref<!tpu.dma_semaphore, #tpu.memory_space<semaphore_mem>>)
    %dma_wait3A = arith.constant 0 : i32
    %dma_wait3A_24 = arith.constant 0 : i32
    %dma_wait3A_25 = arith.constant 0 : i32
    %dma_wait3A_26 = tpu.memref_slice %arg9[%dma_wait3A_24, %dma_wait3A_25] : memref<256x128xf32, #tpu.memory_space<vmem>> -> memref<128x128xf32, #tpu.memory_space<vmem>>
    %dma_wait3A_27 = arith.constant 0 : i32
    %dma_wait3A_28 = tpu.memref_slice %arg8[%dma_wait3A, %dma_wait3A_27] : memref<2x128xi32, #tpu.memory_space<vmem>> -> memref<1x128xi32, #tpu.memory_space<vmem>>
    %dma_wait3A_29 = tpu.memref_squeeze %dma_wait3A_28 : memref<1x128xi32, #tpu.memory_space<vmem>> -> memref<128xi32, #tpu.memory_space<vmem>>
    %dma_wait3A_30 = arith.constant 0 : i32
    %dma_wait3A_31 = arith.constant 0 : i32
    %dma_wait3A_32 = tpu.memref_slice %arg4[%dma_wait3A_30, %dma_wait3A_31] : memref<100000x128xf32, #tpu.memory_space<hbm>> -> memref<100000x128xf32, #tpu.memory_space<hbm>>
    tpu.wait_indirect_dma semaphore(%arg10 : memref<!tpu.dma_semaphore, #tpu.memory_space<semaphore_mem>>) src(%dma_wait3A_32 : memref<100000x128xf32, #tpu.memory_space<hbm>>) dst(%dma_wait3A_26 : memref<128x128xf32, #tpu.memory_space<vmem>>)
    %dma_wait3A_33 = arith.constant 1 : i32
    %dma_wait3A_34 = arith.constant 128 : i32
    %dma_wait3A_35 = arith.constant 0 : i32
    %dma_wait3A_36 = tpu.memref_slice %arg9[%dma_wait3A_34, %dma_wait3A_35] : memref<256x128xf32, #tpu.memory_space<vmem>> -> memref<128x128xf32, #tpu.memory_space<vmem>>
    %dma_wait3A_37 = arith.constant 0 : i32
    %dma_wait3A_38 = tpu.memref_slice %arg8[%dma_wait3A_33, %dma_wait3A_37] : memref<2x128xi32, #tpu.memory_space<vmem>> -> memref<1x128xi32, #tpu.memory_space<vmem>>
    %dma_wait3A_39 = tpu.memref_squeeze %dma_wait3A_38 : memref<1x128xi32, #tpu.memory_space<vmem>> -> memref<128xi32, #tpu.memory_space<vmem>>
    %dma_wait3A_40 = arith.constant 0 : i32
    %dma_wait3A_41 = arith.constant 0 : i32
    %dma_wait3A_42 = tpu.memref_slice %arg4[%dma_wait3A_40, %dma_wait3A_41] : memref<100000x128xf32, #tpu.memory_space<hbm>> -> memref<100000x128xf32, #tpu.memory_space<hbm>>
    tpu.wait_indirect_dma semaphore(%arg10 : memref<!tpu.dma_semaphore, #tpu.memory_space<semaphore_mem>>) src(%dma_wait3A_42 : memref<100000x128xf32, #tpu.memory_space<hbm>>) dst(%dma_wait3A_36 : memref<128x128xf32, #tpu.memory_space<vmem>>)
    "tpu.region"() ({
      %run_scoped3A = tpu.sem_alloc : memref<!tpu.dma_semaphore, #tpu.memory_space<semaphore_mem>>
      %dma_start3A_83 = arith.constant 0 : i32
      %dma_start3A_84 = tpu.memref_slice %arg6[%mul3A_2, %dma_start3A_83] : memref<8192x128xf32, #tpu.memory_space<hbm>> -> memref<256x128xf32, #tpu.memory_space<hbm>>
      %dma_start3A_85 = arith.constant 0 : i32
      %dma_start3A_86 = tpu.memref_slice %arg6[%mul3A_2, %dma_start3A_85] : memref<8192x128xf32, #tpu.memory_space<hbm>> -> memref<256x128xf32, #tpu.memory_space<hbm>>
      tpu.enqueue_dma source(%arg9 : memref<256x128xf32, #tpu.memory_space<vmem>>) target(%dma_start3A_86 : memref<256x128xf32, #tpu.memory_space<hbm>>) target_semaphore(%run_scoped3A : memref<!tpu.dma_semaphore, #tpu.memory_space<semaphore_mem>>)
      %dma_wait3A_87 = arith.constant 0 : i32
      %dma_wait3A_88 = tpu.memref_slice %arg6[%mul3A_2, %dma_wait3A_87] : memref<8192x128xf32, #tpu.memory_space<hbm>> -> memref<256x128xf32, #tpu.memory_space<hbm>>
      %dma_wait3A_89 = arith.constant 0 : i32
      %dma_wait3A_90 = tpu.memref_slice %arg6[%mul3A_2, %dma_wait3A_89] : memref<8192x128xf32, #tpu.memory_space<hbm>> -> memref<256x128xf32, #tpu.memory_space<hbm>>
      tpu.wait_dma2 semaphore(%run_scoped3A : memref<!tpu.dma_semaphore, #tpu.memory_space<semaphore_mem>>) src(%arg9 : memref<256x128xf32, #tpu.memory_space<vmem>>) dst(%dma_wait3A_90 : memref<256x128xf32, #tpu.memory_space<hbm>>)
      tpu.yield
    }) : () -> ()
    "tpu.region"() ({
      %run_scoped3A = tpu.sem_alloc : memref<!tpu.dma_semaphore, #tpu.memory_space<semaphore_mem>>
      %dma_start3A_83 = arith.constant 0 : i32
      %dma_start3A_84 = tpu.memref_slice %arg3[%mul3A_4, %dma_start3A_83] : memref<64x128xi32, #tpu.memory_space<hbm>> -> memref<2x128xi32, #tpu.memory_space<hbm>>
      %dma_start3A_85 = arith.constant 0 : i32
      %dma_start3A_86 = tpu.memref_slice %arg3[%mul3A_4, %dma_start3A_85] : memref<64x128xi32, #tpu.memory_space<hbm>> -> memref<2x128xi32, #tpu.memory_space<hbm>>
      tpu.enqueue_dma source(%dma_start3A_86 : memref<2x128xi32, #tpu.memory_space<hbm>>) target(%arg8 : memref<2x128xi32, #tpu.memory_space<vmem>>) target_semaphore(%run_scoped3A : memref<!tpu.dma_semaphore, #tpu.memory_space<semaphore_mem>>)
      %dma_wait3A_87 = arith.constant 0 : i32
      %dma_wait3A_88 = tpu.memref_slice %arg3[%mul3A_4, %dma_wait3A_87] : memref<64x128xi32, #tpu.memory_space<hbm>> -> memref<2x128xi32, #tpu.memory_space<hbm>>
      %dma_wait3A_89 = arith.constant 0 : i32
      %dma_wait3A_90 = tpu.memref_slice %arg3[%mul3A_4, %dma_wait3A_89] : memref<64x128xi32, #tpu.memory_space<hbm>> -> memref<2x128xi32, #tpu.memory_space<hbm>>
      tpu.wait_dma2 semaphore(%run_scoped3A : memref<!tpu.dma_semaphore, #tpu.memory_space<semaphore_mem>>) src(%dma_wait3A_90 : memref<2x128xi32, #tpu.memory_space<hbm>>) dst(%arg8 : memref<2x128xi32, #tpu.memory_space<vmem>>)
      tpu.yield
    }) : () -> ()
    %dma_start3A_43 = arith.constant 0 : i32
    %dma_start3A_44 = arith.constant 0 : i32
    %dma_start3A_45 = arith.constant 0 : i32
    %dma_start3A_46 = tpu.memref_slice %arg9[%dma_start3A_44, %dma_start3A_45] : memref<256x128xf32, #tpu.memory_space<vmem>> -> memref<128x128xf32, #tpu.memory_space<vmem>>
    %dma_start3A_47 = arith.constant 0 : i32
    %dma_start3A_48 = tpu.memref_slice %arg8[%dma_start3A_43, %dma_start3A_47] : memref<2x128xi32, #tpu.memory_space<vmem>> -> memref<1x128xi32, #tpu.memory_space<vmem>>
    %dma_start3A_49 = tpu.memref_squeeze %dma_start3A_48 : memref<1x128xi32, #tpu.memory_space<vmem>> -> memref<128xi32, #tpu.memory_space<vmem>>
    %dma_start3A_50 = arith.constant 0 : i32
    %dma_start3A_51 = arith.constant 0 : i32
    %dma_start3A_52 = tpu.memref_slice %arg5[%dma_start3A_50, %dma_start3A_51] : memref<100000x128xf32, #tpu.memory_space<hbm>> -> memref<100000x128xf32, #tpu.memory_space<hbm>>
    tpu.enqueue_indirect_dma source(%dma_start3A_52 : memref<100000x128xf32, #tpu.memory_space<hbm>>) target(%dma_start3A_46 : memref<128x128xf32, #tpu.memory_space<vmem>>) offsets(%dma_start3A_49 : memref<128xi32, #tpu.memory_space<vmem>>) semaphore(%arg10 : memref<!tpu.dma_semaphore, #tpu.memory_space<semaphore_mem>>)
    %dma_start3A_53 = arith.constant 1 : i32
    %dma_start3A_54 = arith.constant 128 : i32
    %dma_start3A_55 = arith.constant 0 : i32
    %dma_start3A_56 = tpu.memref_slice %arg9[%dma_start3A_54, %dma_start3A_55] : memref<256x128xf32, #tpu.memory_space<vmem>> -> memref<128x128xf32, #tpu.memory_space<vmem>>
    %dma_start3A_57 = arith.constant 0 : i32
    %dma_start3A_58 = tpu.memref_slice %arg8[%dma_start3A_53, %dma_start3A_57] : memref<2x128xi32, #tpu.memory_space<vmem>> -> memref<1x128xi32, #tpu.memory_space<vmem>>
    %dma_start3A_59 = tpu.memref_squeeze %dma_start3A_58 : memref<1x128xi32, #tpu.memory_space<vmem>> -> memref<128xi32, #tpu.memory_space<vmem>>
    %dma_start3A_60 = arith.constant 0 : i32
    %dma_start3A_61 = arith.constant 0 : i32
    %dma_start3A_62 = tpu.memref_slice %arg5[%dma_start3A_60, %dma_start3A_61] : memref<100000x128xf32, #tpu.memory_space<hbm>> -> memref<100000x128xf32, #tpu.memory_space<hbm>>
    tpu.enqueue_indirect_dma source(%dma_start3A_62 : memref<100000x128xf32, #tpu.memory_space<hbm>>) target(%dma_start3A_56 : memref<128x128xf32, #tpu.memory_space<vmem>>) offsets(%dma_start3A_59 : memref<128xi32, #tpu.memory_space<vmem>>) semaphore(%arg10 : memref<!tpu.dma_semaphore, #tpu.memory_space<semaphore_mem>>)
    %dma_wait3A_63 = arith.constant 0 : i32
    %dma_wait3A_64 = arith.constant 0 : i32
    %dma_wait3A_65 = arith.constant 0 : i32
    %dma_wait3A_66 = tpu.memref_slice %arg9[%dma_wait3A_64, %dma_wait3A_65] : memref<256x128xf32, #tpu.memory_space<vmem>> -> memref<128x128xf32, #tpu.memory_space<vmem>>
    %dma_wait3A_67 = arith.constant 0 : i32
    %dma_wait3A_68 = tpu.memref_slice %arg8[%dma_wait3A_63, %dma_wait3A_67] : memref<2x128xi32, #tpu.memory_space<vmem>> -> memref<1x128xi32, #tpu.memory_space<vmem>>
    %dma_wait3A_69 = tpu.memref_squeeze %dma_wait3A_68 : memref<1x128xi32, #tpu.memory_space<vmem>> -> memref<128xi32, #tpu.memory_space<vmem>>
    %dma_wait3A_70 = arith.constant 0 : i32
    %dma_wait3A_71 = arith.constant 0 : i32
    %dma_wait3A_72 = tpu.memref_slice %arg5[%dma_wait3A_70, %dma_wait3A_71] : memref<100000x128xf32, #tpu.memory_space<hbm>> -> memref<100000x128xf32, #tpu.memory_space<hbm>>
    tpu.wait_indirect_dma semaphore(%arg10 : memref<!tpu.dma_semaphore, #tpu.memory_space<semaphore_mem>>) src(%dma_wait3A_72 : memref<100000x128xf32, #tpu.memory_space<hbm>>) dst(%dma_wait3A_66 : memref<128x128xf32, #tpu.memory_space<vmem>>)
    %dma_wait3A_73 = arith.constant 1 : i32
    %dma_wait3A_74 = arith.constant 128 : i32
    %dma_wait3A_75 = arith.constant 0 : i32
    %dma_wait3A_76 = tpu.memref_slice %arg9[%dma_wait3A_74, %dma_wait3A_75] : memref<256x128xf32, #tpu.memory_space<vmem>> -> memref<128x128xf32, #tpu.memory_space<vmem>>
    %dma_wait3A_77 = arith.constant 0 : i32
    %dma_wait3A_78 = tpu.memref_slice %arg8[%dma_wait3A_73, %dma_wait3A_77] : memref<2x128xi32, #tpu.memory_space<vmem>> -> memref<1x128xi32, #tpu.memory_space<vmem>>
    %dma_wait3A_79 = tpu.memref_squeeze %dma_wait3A_78 : memref<1x128xi32, #tpu.memory_space<vmem>> -> memref<128xi32, #tpu.memory_space<vmem>>
    %dma_wait3A_80 = arith.constant 0 : i32
    %dma_wait3A_81 = arith.constant 0 : i32
    %dma_wait3A_82 = tpu.memref_slice %arg5[%dma_wait3A_80, %dma_wait3A_81] : memref<100000x128xf32, #tpu.memory_space<hbm>> -> memref<100000x128xf32, #tpu.memory_space<hbm>>
    tpu.wait_indirect_dma semaphore(%arg10 : memref<!tpu.dma_semaphore, #tpu.memory_space<semaphore_mem>>) src(%dma_wait3A_82 : memref<100000x128xf32, #tpu.memory_space<hbm>>) dst(%dma_wait3A_76 : memref<128x128xf32, #tpu.memory_space<vmem>>)
    "tpu.region"() ({
      %run_scoped3A = tpu.sem_alloc : memref<!tpu.dma_semaphore, #tpu.memory_space<semaphore_mem>>
      %dma_start3A_83 = arith.constant 0 : i32
      %dma_start3A_84 = tpu.memref_slice %arg7[%mul3A_2, %dma_start3A_83] : memref<8192x128xf32, #tpu.memory_space<hbm>> -> memref<256x128xf32, #tpu.memory_space<hbm>>
      %dma_start3A_85 = arith.constant 0 : i32
      %dma_start3A_86 = tpu.memref_slice %arg7[%mul3A_2, %dma_start3A_85] : memref<8192x128xf32, #tpu.memory_space<hbm>> -> memref<256x128xf32, #tpu.memory_space<hbm>>
      tpu.enqueue_dma source(%arg9 : memref<256x128xf32, #tpu.memory_space<vmem>>) target(%dma_start3A_86 : memref<256x128xf32, #tpu.memory_space<hbm>>) target_semaphore(%run_scoped3A : memref<!tpu.dma_semaphore, #tpu.memory_space<semaphore_mem>>)
      %dma_wait3A_87 = arith.constant 0 : i32
      %dma_wait3A_88 = tpu.memref_slice %arg7[%mul3A_2, %dma_wait3A_87] : memref<8192x128xf32, #tpu.memory_space<hbm>> -> memref<256x128xf32, #tpu.memory_space<hbm>>
      %dma_wait3A_89 = arith.constant 0 : i32
      %dma_wait3A_90 = tpu.memref_slice %arg7[%mul3A_2, %dma_wait3A_89] : memref<8192x128xf32, #tpu.memory_space<hbm>> -> memref<256x128xf32, #tpu.memory_space<hbm>>
      tpu.wait_dma2 semaphore(%run_scoped3A : memref<!tpu.dma_semaphore, #tpu.memory_space<semaphore_mem>>) src(%arg9 : memref<256x128xf32, #tpu.memory_space<vmem>>) dst(%dma_wait3A_90 : memref<256x128xf32, #tpu.memory_space<hbm>>)
      tpu.yield
    }) : () -> ()
    return
  }
}

#map = affine_map<(d0, d1) -> (0, 0)>
module attributes {stable_mosaic.version = 14 : i64} {
  func.func @_sc_gather_body(%arg0: i32, %arg1: i32, %arg2: memref<64x128xi32, #tpu.memory_space<hbm>>, %arg3: memref<64x128xi32, #tpu.memory_space<hbm>>, %arg4: memref<100000x128xf32, #tpu.memory_space<hbm>>, %arg5: memref<100000x128xf32, #tpu.memory_space<hbm>>, %arg6: memref<8192x128xf32, #tpu.memory_space<hbm>>, %arg7: memref<8192x128xf32, #tpu.memory_space<hbm>>, %arg8: memref<2x128xi32, #tpu.memory_space<vmem>>, %arg9: memref<256x128xf32, #tpu.memory_space<vmem>>, %arg10: memref<!tpu.dma_semaphore, #tpu.memory_space<semaphore_mem>>) attributes {dimension_semantics = [#tpu.dimension_semantics<core_parallel>, #tpu.dimension_semantics<subcore_parallel>], iteration_bounds = array<i64: 2, 16>, scalar_prefetch = 0 : i64, scratch_operands = 3 : i64, tpu.core_type = #tpu.core_type<sc_vector_subcore>, window_params = [{transform_indices = #map}, {transform_indices = #map}, {transform_indices = #map}, {transform_indices = #map}, {transform_indices = #map}, {transform_indices = #map}]} {
    %mul3A = arith.constant 2 : i32
    %mul3A_0 = arith.muli %arg1, %mul3A : i32
    %add3A = arith.addi %mul3A_0, %arg0 : i32
    %mul3A_1 = arith.constant 256 : i32
    %mul3A_2 = arith.muli %add3A, %mul3A_1 : i32
    %mul3A_3 = arith.constant 2 : i32
    %mul3A_4 = arith.muli %add3A, %mul3A_3 : i32
    "tpu.region"() ({
      %run_scoped3A = tpu.sem_alloc : memref<!tpu.dma_semaphore, #tpu.memory_space<semaphore_mem>>
      %dma_start3A_83 = arith.constant 0 : i32
      %dma_start3A_84 = tpu.memref_slice %arg2[%mul3A_4, %dma_start3A_83] : memref<64x128xi32, #tpu.memory_space<hbm>> -> memref<2x128xi32, #tpu.memory_space<hbm>>
      %dma_start3A_85 = arith.constant 0 : i32
      %dma_start3A_86 = tpu.memref_slice %arg2[%mul3A_4, %dma_start3A_85] : memref<64x128xi32, #tpu.memory_space<hbm>> -> memref<2x128xi32, #tpu.memory_space<hbm>>
      tpu.enqueue_dma source(%dma_start3A_86 : memref<2x128xi32, #tpu.memory_space<hbm>>) target(%arg8 : memref<2x128xi32, #tpu.memory_space<vmem>>) target_semaphore(%run_scoped3A : memref<!tpu.dma_semaphore, #tpu.memory_space<semaphore_mem>>)
      %dma_wait3A_87 = arith.constant 0 : i32
      %dma_wait3A_88 = tpu.memref_slice %arg2[%mul3A_4, %dma_wait3A_87] : memref<64x128xi32, #tpu.memory_space<hbm>> -> memref<2x128xi32, #tpu.memory_space<hbm>>
      %dma_wait3A_89 = arith.constant 0 : i32
      %dma_wait3A_90 = tpu.memref_slice %arg2[%mul3A_4, %dma_wait3A_89] : memref<64x128xi32, #tpu.memory_space<hbm>> -> memref<2x128xi32, #tpu.memory_space<hbm>>
      tpu.wait_dma2 semaphore(%run_scoped3A : memref<!tpu.dma_semaphore, #tpu.memory_space<semaphore_mem>>) src(%dma_wait3A_90 : memref<2x128xi32, #tpu.memory_space<hbm>>) dst(%arg8 : memref<2x128xi32, #tpu.memory_space<vmem>>)
      tpu.yield
    }) : () -> ()
    %dma_start3A = arith.constant 0 : i32
    %dma_start3A_5 = arith.constant 0 : i32
    %dma_start3A_6 = arith.constant 0 : i32
    %dma_start3A_7 = tpu.memref_slice %arg9[%dma_start3A_5, %dma_start3A_6] : memref<256x128xf32, #tpu.memory_space<vmem>> -> memref<128x128xf32, #tpu.memory_space<vmem>>
    %dma_start3A_8 = arith.constant 0 : i32
    %dma_start3A_9 = tpu.memref_slice %arg8[%dma_start3A, %dma_start3A_8] : memref<2x128xi32, #tpu.memory_space<vmem>> -> memref<1x128xi32, #tpu.memory_space<vmem>>
    %dma_start3A_10 = tpu.memref_squeeze %dma_start3A_9 : memref<1x128xi32, #tpu.memory_space<vmem>> -> memref<128xi32, #tpu.memory_space<vmem>>
    %dma_start3A_11 = arith.constant 0 : i32
    %dma_start3A_12 = arith.constant 0 : i32
    %dma_start3A_13 = tpu.memref_slice %arg4[%dma_start3A_11, %dma_start3A_12] : memref<100000x128xf32, #tpu.memory_space<hbm>> -> memref<100000x128xf32, #tpu.memory_space<hbm>>
    tpu.enqueue_indirect_dma source(%dma_start3A_13 : memref<100000x128xf32, #tpu.memory_space<hbm>>) target(%dma_start3A_7 : memref<128x128xf32, #tpu.memory_space<vmem>>) offsets(%dma_start3A_10 : memref<128xi32, #tpu.memory_space<vmem>>) semaphore(%arg10 : memref<!tpu.dma_semaphore, #tpu.memory_space<semaphore_mem>>)
    %dma_start3A_14 = arith.constant 1 : i32
    %dma_start3A_15 = arith.constant 128 : i32
    %dma_start3A_16 = arith.constant 0 : i32
    %dma_start3A_17 = tpu.memref_slice %arg9[%dma_start3A_15, %dma_start3A_16] : memref<256x128xf32, #tpu.memory_space<vmem>> -> memref<128x128xf32, #tpu.memory_space<vmem>>
    %dma_start3A_18 = arith.constant 0 : i32
    %dma_start3A_19 = tpu.memref_slice %arg8[%dma_start3A_14, %dma_start3A_18] : memref<2x128xi32, #tpu.memory_space<vmem>> -> memref<1x128xi32, #tpu.memory_space<vmem>>
    %dma_start3A_20 = tpu.memref_squeeze %dma_start3A_19 : memref<1x128xi32, #tpu.memory_space<vmem>> -> memref<128xi32, #tpu.memory_space<vmem>>
    %dma_start3A_21 = arith.constant 0 : i32
    %dma_start3A_22 = arith.constant 0 : i32
    %dma_start3A_23 = tpu.memref_slice %arg4[%dma_start3A_21, %dma_start3A_22] : memref<100000x128xf32, #tpu.memory_space<hbm>> -> memref<100000x128xf32, #tpu.memory_space<hbm>>
    tpu.enqueue_indirect_dma source(%dma_start3A_23 : memref<100000x128xf32, #tpu.memory_space<hbm>>) target(%dma_start3A_17 : memref<128x128xf32, #tpu.memory_space<vmem>>) offsets(%dma_start3A_20 : memref<128xi32, #tpu.memory_space<vmem>>) semaphore(%arg10 : memref<!tpu.dma_semaphore, #tpu.memory_space<semaphore_mem>>)
    %dma_wait3A = arith.constant 0 : i32
    %dma_wait3A_24 = arith.constant 0 : i32
    %dma_wait3A_25 = arith.constant 0 : i32
    %dma_wait3A_26 = tpu.memref_slice %arg9[%dma_wait3A_24, %dma_wait3A_25] : memref<256x128xf32, #tpu.memory_space<vmem>> -> memref<128x128xf32, #tpu.memory_space<vmem>>
    %dma_wait3A_27 = arith.constant 0 : i32
    %dma_wait3A_28 = tpu.memref_slice %arg8[%dma_wait3A, %dma_wait3A_27] : memref<2x128xi32, #tpu.memory_space<vmem>> -> memref<1x128xi32, #tpu.memory_space<vmem>>
    %dma_wait3A_29 = tpu.memref_squeeze %dma_wait3A_28 : memref<1x128xi32, #tpu.memory_space<vmem>> -> memref<128xi32, #tpu.memory_space<vmem>>
    %dma_wait3A_30 = arith.constant 0 : i32
    %dma_wait3A_31 = arith.constant 0 : i32
    %dma_wait3A_32 = tpu.memref_slice %arg4[%dma_wait3A_30, %dma_wait3A_31] : memref<100000x128xf32, #tpu.memory_space<hbm>> -> memref<100000x128xf32, #tpu.memory_space<hbm>>
    tpu.wait_indirect_dma semaphore(%arg10 : memref<!tpu.dma_semaphore, #tpu.memory_space<semaphore_mem>>) src(%dma_wait3A_32 : memref<100000x128xf32, #tpu.memory_space<hbm>>) dst(%dma_wait3A_26 : memref<128x128xf32, #tpu.memory_space<vmem>>)
    %dma_wait3A_33 = arith.constant 1 : i32
    %dma_wait3A_34 = arith.constant 128 : i32
    %dma_wait3A_35 = arith.constant 0 : i32
    %dma_wait3A_36 = tpu.memref_slice %arg9[%dma_wait3A_34, %dma_wait3A_35] : memref<256x128xf32, #tpu.memory_space<vmem>> -> memref<128x128xf32, #tpu.memory_space<vmem>>
    %dma_wait3A_37 = arith.constant 0 : i32
    %dma_wait3A_38 = tpu.memref_slice %arg8[%dma_wait3A_33, %dma_wait3A_37] : memref<2x128xi32, #tpu.memory_space<vmem>> -> memref<1x128xi32, #tpu.memory_space<vmem>>
    %dma_wait3A_39 = tpu.memref_squeeze %dma_wait3A_38 : memref<1x128xi32, #tpu.memory_space<vmem>> -> memref<128xi32, #tpu.memory_space<vmem>>
    %dma_wait3A_40 = arith.constant 0 : i32
    %dma_wait3A_41 = arith.constant 0 : i32
    %dma_wait3A_42 = tpu.memref_slice %arg4[%dma_wait3A_40, %dma_wait3A_41] : memref<100000x128xf32, #tpu.memory_space<hbm>> -> memref<100000x128xf32, #tpu.memory_space<hbm>>
    tpu.wait_indirect_dma semaphore(%arg10 : memref<!tpu.dma_semaphore, #tpu.memory_space<semaphore_mem>>) src(%dma_wait3A_42 : memref<100000x128xf32, #tpu.memory_space<hbm>>) dst(%dma_wait3A_36 : memref<128x128xf32, #tpu.memory_space<vmem>>)
    "tpu.region"() ({
      %run_scoped3A = tpu.sem_alloc : memref<!tpu.dma_semaphore, #tpu.memory_space<semaphore_mem>>
      %dma_start3A_83 = arith.constant 0 : i32
      %dma_start3A_84 = tpu.memref_slice %arg6[%mul3A_2, %dma_start3A_83] : memref<8192x128xf32, #tpu.memory_space<hbm>> -> memref<256x128xf32, #tpu.memory_space<hbm>>
      %dma_start3A_85 = arith.constant 0 : i32
      %dma_start3A_86 = tpu.memref_slice %arg6[%mul3A_2, %dma_start3A_85] : memref<8192x128xf32, #tpu.memory_space<hbm>> -> memref<256x128xf32, #tpu.memory_space<hbm>>
      tpu.enqueue_dma source(%arg9 : memref<256x128xf32, #tpu.memory_space<vmem>>) target(%dma_start3A_86 : memref<256x128xf32, #tpu.memory_space<hbm>>) target_semaphore(%run_scoped3A : memref<!tpu.dma_semaphore, #tpu.memory_space<semaphore_mem>>)
      %dma_wait3A_87 = arith.constant 0 : i32
      %dma_wait3A_88 = tpu.memref_slice %arg6[%mul3A_2, %dma_wait3A_87] : memref<8192x128xf32, #tpu.memory_space<hbm>> -> memref<256x128xf32, #tpu.memory_space<hbm>>
      %dma_wait3A_89 = arith.constant 0 : i32
      %dma_wait3A_90 = tpu.memref_slice %arg6[%mul3A_2, %dma_wait3A_89] : memref<8192x128xf32, #tpu.memory_space<hbm>> -> memref<256x128xf32, #tpu.memory_space<hbm>>
      tpu.wait_dma2 semaphore(%run_scoped3A : memref<!tpu.dma_semaphore, #tpu.memory_space<semaphore_mem>>) src(%arg9 : memref<256x128xf32, #tpu.memory_space<vmem>>) dst(%dma_wait3A_90 : memref<256x128xf32, #tpu.memory_space<hbm>>)
      tpu.yield
    }) : () -> ()
    "tpu.region"() ({
      %run_scoped3A = tpu.sem_alloc : memref<!tpu.dma_semaphore, #tpu.memory_space<semaphore_mem>>
      %dma_start3A_83 = arith.constant 0 : i32
      %dma_start3A_84 = tpu.memref_slice %arg3[%mul3A_4, %dma_start3A_83] : memref<64x128xi32, #tpu.memory_space<hbm>> -> memref<2x128xi32, #tpu.memory_space<hbm>>
      %dma_start3A_85 = arith.constant 0 : i32
      %dma_start3A_86 = tpu.memref_slice %arg3[%mul3A_4, %dma_start3A_85] : memref<64x128xi32, #tpu.memory_space<hbm>> -> memref<2x128xi32, #tpu.memory_space<hbm>>
      tpu.enqueue_dma source(%dma_start3A_86 : memref<2x128xi32, #tpu.memory_space<hbm>>) target(%arg8 : memref<2x128xi32, #tpu.memory_space<vmem>>) target_semaphore(%run_scoped3A : memref<!tpu.dma_semaphore, #tpu.memory_space<semaphore_mem>>)
      %dma_wait3A_87 = arith.constant 0 : i32
      %dma_wait3A_88 = tpu.memref_slice %arg3[%mul3A_4, %dma_wait3A_87] : memref<64x128xi32, #tpu.memory_space<hbm>> -> memref<2x128xi32, #tpu.memory_space<hbm>>
      %dma_wait3A_89 = arith.constant 0 : i32
      %dma_wait3A_90 = tpu.memref_slice %arg3[%mul3A_4, %dma_wait3A_89] : memref<64x128xi32, #tpu.memory_space<hbm>> -> memref<2x128xi32, #tpu.memory_space<hbm>>
      tpu.wait_dma2 semaphore(%run_scoped3A : memref<!tpu.dma_semaphore, #tpu.memory_space<semaphore_mem>>) src(%dma_wait3A_90 : memref<2x128xi32, #tpu.memory_space<hbm>>) dst(%arg8 : memref<2x128xi32, #tpu.memory_space<vmem>>)
      tpu.yield
    }) : () -> ()
    %dma_start3A_43 = arith.constant 0 : i32
    %dma_start3A_44 = arith.constant 0 : i32
    %dma_start3A_45 = arith.constant 0 : i32
    %dma_start3A_46 = tpu.memref_slice %arg9[%dma_start3A_44, %dma_start3A_45] : memref<256x128xf32, #tpu.memory_space<vmem>> -> memref<128x128xf32, #tpu.memory_space<vmem>>
    %dma_start3A_47 = arith.constant 0 : i32
    %dma_start3A_48 = tpu.memref_slice %arg8[%dma_start3A_43, %dma_start3A_47] : memref<2x128xi32, #tpu.memory_space<vmem>> -> memref<1x128xi32, #tpu.memory_space<vmem>>
    %dma_start3A_49 = tpu.memref_squeeze %dma_start3A_48 : memref<1x128xi32, #tpu.memory_space<vmem>> -> memref<128xi32, #tpu.memory_space<vmem>>
    %dma_start3A_50 = arith.constant 0 : i32
    %dma_start3A_51 = arith.constant 0 : i32
    %dma_start3A_52 = tpu.memref_slice %arg5[%dma_start3A_50, %dma_start3A_51] : memref<100000x128xf32, #tpu.memory_space<hbm>> -> memref<100000x128xf32, #tpu.memory_space<hbm>>
    tpu.enqueue_indirect_dma source(%dma_start3A_52 : memref<100000x128xf32, #tpu.memory_space<hbm>>) target(%dma_start3A_46 : memref<128x128xf32, #tpu.memory_space<vmem>>) offsets(%dma_start3A_49 : memref<128xi32, #tpu.memory_space<vmem>>) semaphore(%arg10 : memref<!tpu.dma_semaphore, #tpu.memory_space<semaphore_mem>>)
    %dma_start3A_53 = arith.constant 1 : i32
    %dma_start3A_54 = arith.constant 128 : i32
    %dma_start3A_55 = arith.constant 0 : i32
    %dma_start3A_56 = tpu.memref_slice %arg9[%dma_start3A_54, %dma_start3A_55] : memref<256x128xf32, #tpu.memory_space<vmem>> -> memref<128x128xf32, #tpu.memory_space<vmem>>
    %dma_start3A_57 = arith.constant 0 : i32
    %dma_start3A_58 = tpu.memref_slice %arg8[%dma_start3A_53, %dma_start3A_57] : memref<2x128xi32, #tpu.memory_space<vmem>> -> memref<1x128xi32, #tpu.memory_space<vmem>>
    %dma_start3A_59 = tpu.memref_squeeze %dma_start3A_58 : memref<1x128xi32, #tpu.memory_space<vmem>> -> memref<128xi32, #tpu.memory_space<vmem>>
    %dma_start3A_60 = arith.constant 0 : i32
    %dma_start3A_61 = arith.constant 0 : i32
    %dma_start3A_62 = tpu.memref_slice %arg5[%dma_start3A_60, %dma_start3A_61] : memref<100000x128xf32, #tpu.memory_space<hbm>> -> memref<100000x128xf32, #tpu.memory_space<hbm>>
    tpu.enqueue_indirect_dma source(%dma_start3A_62 : memref<100000x128xf32, #tpu.memory_space<hbm>>) target(%dma_start3A_56 : memref<128x128xf32, #tpu.memory_space<vmem>>) offsets(%dma_start3A_59 : memref<128xi32, #tpu.memory_space<vmem>>) semaphore(%arg10 : memref<!tpu.dma_semaphore, #tpu.memory_space<semaphore_mem>>)
    %dma_wait3A_63 = arith.constant 0 : i32
    %dma_wait3A_64 = arith.constant 0 : i32
    %dma_wait3A_65 = arith.constant 0 : i32
    %dma_wait3A_66 = tpu.memref_slice %arg9[%dma_wait3A_64, %dma_wait3A_65] : memref<256x128xf32, #tpu.memory_space<vmem>> -> memref<128x128xf32, #tpu.memory_space<vmem>>
    %dma_wait3A_67 = arith.constant 0 : i32
    %dma_wait3A_68 = tpu.memref_slice %arg8[%dma_wait3A_63, %dma_wait3A_67] : memref<2x128xi32, #tpu.memory_space<vmem>> -> memref<1x128xi32, #tpu.memory_space<vmem>>
    %dma_wait3A_69 = tpu.memref_squeeze %dma_wait3A_68 : memref<1x128xi32, #tpu.memory_space<vmem>> -> memref<128xi32, #tpu.memory_space<vmem>>
    %dma_wait3A_70 = arith.constant 0 : i32
    %dma_wait3A_71 = arith.constant 0 : i32
    %dma_wait3A_72 = tpu.memref_slice %arg5[%dma_wait3A_70, %dma_wait3A_71] : memref<100000x128xf32, #tpu.memory_space<hbm>> -> memref<100000x128xf32, #tpu.memory_space<hbm>>
    tpu.wait_indirect_dma semaphore(%arg10 : memref<!tpu.dma_semaphore, #tpu.memory_space<semaphore_mem>>) src(%dma_wait3A_72 : memref<100000x128xf32, #tpu.memory_space<hbm>>) dst(%dma_wait3A_66 : memref<128x128xf32, #tpu.memory_space<vmem>>)
    %dma_wait3A_73 = arith.constant 1 : i32
    %dma_wait3A_74 = arith.constant 128 : i32
    %dma_wait3A_75 = arith.constant 0 : i32
    %dma_wait3A_76 = tpu.memref_slice %arg9[%dma_wait3A_74, %dma_wait3A_75] : memref<256x128xf32, #tpu.memory_space<vmem>> -> memref<128x128xf32, #tpu.memory_space<vmem>>
    %dma_wait3A_77 = arith.constant 0 : i32
    %dma_wait3A_78 = tpu.memref_slice %arg8[%dma_wait3A_73, %dma_wait3A_77] : memref<2x128xi32, #tpu.memory_space<vmem>> -> memref<1x128xi32, #tpu.memory_space<vmem>>
    %dma_wait3A_79 = tpu.memref_squeeze %dma_wait3A_78 : memref<1x128xi32, #tpu.memory_space<vmem>> -> memref<128xi32, #tpu.memory_space<vmem>>
    %dma_wait3A_80 = arith.constant 0 : i32
    %dma_wait3A_81 = arith.constant 0 : i32
    %dma_wait3A_82 = tpu.memref_slice %arg5[%dma_wait3A_80, %dma_wait3A_81] : memref<100000x128xf32, #tpu.memory_space<hbm>> -> memref<100000x128xf32, #tpu.memory_space<hbm>>
    tpu.wait_indirect_dma semaphore(%arg10 : memref<!tpu.dma_semaphore, #tpu.memory_space<semaphore_mem>>) src(%dma_wait3A_82 : memref<100000x128xf32, #tpu.memory_space<hbm>>) dst(%dma_wait3A_76 : memref<128x128xf32, #tpu.memory_space<vmem>>)
    "tpu.region"() ({
      %run_scoped3A = tpu.sem_alloc : memref<!tpu.dma_semaphore, #tpu.memory_space<semaphore_mem>>
      %dma_start3A_83 = arith.constant 0 : i32
      %dma_start3A_84 = tpu.memref_slice %arg7[%mul3A_2, %dma_start3A_83] : memref<8192x128xf32, #tpu.memory_space<hbm>> -> memref<256x128xf32, #tpu.memory_space<hbm>>
      %dma_start3A_85 = arith.constant 0 : i32
      %dma_start3A_86 = tpu.memref_slice %arg7[%mul3A_2, %dma_start3A_85] : memref<8192x128xf32, #tpu.memory_space<hbm>> -> memref<256x128xf32, #tpu.memory_space<hbm>>
      tpu.enqueue_dma source(%arg9 : memref<256x128xf32, #tpu.memory_space<vmem>>) target(%dma_start3A_86 : memref<256x128xf32, #tpu.memory_space<hbm>>) target_semaphore(%run_scoped3A : memref<!tpu.dma_semaphore, #tpu.memory_space<semaphore_mem>>)
      %dma_wait3A_87 = arith.constant 0 : i32
      %dma_wait3A_88 = tpu.memref_slice %arg7[%mul3A_2, %dma_wait3A_87] : memref<8192x128xf32, #tpu.memory_space<hbm>> -> memref<256x128xf32, #tpu.memory_space<hbm>>
      %dma_wait3A_89 = arith.constant 0 : i32
      %dma_wait3A_90 = tpu.memref_slice %arg7[%mul3A_2, %dma_wait3A_89] : memref<8192x128xf32, #tpu.memory_space<hbm>> -> memref<256x128xf32, #tpu.memory_space<hbm>>
      tpu.wait_dma2 semaphore(%run_scoped3A : memref<!tpu.dma_semaphore, #tpu.memory_space<semaphore_mem>>) src(%arg9 : memref<256x128xf32, #tpu.memory_space<vmem>>) dst(%dma_wait3A_90 : memref<256x128xf32, #tpu.memory_space<hbm>>)
      tpu.yield
    }) : () -> ()
    return
  }
}

module attributes {stable_mosaic.version = 14 : i64} {
  func.func @_mlp_body(%arg0: i32, %arg1: memref<2048x128xf32, #tpu.memory_space<vmem>>, %arg2: memref<2048x128xf32, #tpu.memory_space<vmem>>, %arg3: memref<256x512xf32, #tpu.memory_space<vmem>>, %arg4: memref<1x512xf32, #tpu.memory_space<vmem>>, %arg5: memref<512x256xf32, #tpu.memory_space<vmem>>, %arg6: memref<1x256xf32, #tpu.memory_space<vmem>>, %arg7: memref<256x128xf32, #tpu.memory_space<vmem>>, %arg8: memref<1x128xf32, #tpu.memory_space<vmem>>, %arg9: memref<128x64xf32, #tpu.memory_space<vmem>>, %arg10: memref<1x64xf32, #tpu.memory_space<vmem>>, %arg11: memref<64x1xf32, #tpu.memory_space<vmem>>, %arg12: memref<1x1xf32, #tpu.memory_space<vmem>>, %arg13: memref<1x512xf32, #tpu.memory_space<vmem>>, %arg14: memref<1x512xf32, #tpu.memory_space<vmem>>, %arg15: memref<1x256xf32, #tpu.memory_space<vmem>>, %arg16: memref<1x256xf32, #tpu.memory_space<vmem>>, %arg17: memref<1x128xf32, #tpu.memory_space<vmem>>, %arg18: memref<1x128xf32, #tpu.memory_space<vmem>>, %arg19: memref<1x64xf32, #tpu.memory_space<vmem>>, %arg20: memref<1x64xf32, #tpu.memory_space<vmem>>, %arg21: memref<2048x1xf32, #tpu.memory_space<vmem>>) attributes {dimension_semantics = [#tpu.dimension_semantics<arbitrary>], iteration_bounds = array<i64: 4>, scalar_prefetch = 0 : i64, scratch_operands = 0 : i64, tpu.core_type = #tpu.core_type<tc>, window_params = [{transform_indices = @transform_0, window_bounds = array<i64: 2048, 128>}, {transform_indices = @transform_1, window_bounds = array<i64: 2048, 128>}, {pipeline_mode = #tpu.pipeline_mode<synchronous>, transform_indices = @transform_2, window_bounds = array<i64: 256, 512>}, {pipeline_mode = #tpu.pipeline_mode<synchronous>, transform_indices = @transform_3, window_bounds = array<i64: 1, 512>}, {pipeline_mode = #tpu.pipeline_mode<synchronous>, transform_indices = @transform_4, window_bounds = array<i64: 512, 256>}, {pipeline_mode = #tpu.pipeline_mode<synchronous>, transform_indices = @transform_5, window_bounds = array<i64: 1, 256>}, {pipeline_mode = #tpu.pipeline_mode<synchronous>, transform_indices = @transform_6, window_bounds = array<i64: 256, 128>}, {pipeline_mode = #tpu.pipeline_mode<synchronous>, transform_indices = @transform_7, window_bounds = array<i64: 1, 128>}, {pipeline_mode = #tpu.pipeline_mode<synchronous>, transform_indices = @transform_8, window_bounds = array<i64: 128, 64>}, {pipeline_mode = #tpu.pipeline_mode<synchronous>, transform_indices = @transform_9, window_bounds = array<i64: 1, 64>}, {pipeline_mode = #tpu.pipeline_mode<synchronous>, transform_indices = @transform_10, window_bounds = array<i64: 64, 1>}, {pipeline_mode = #tpu.pipeline_mode<synchronous>, transform_indices = @transform_11, window_bounds = array<i64: 1, 1>}, {pipeline_mode = #tpu.pipeline_mode<synchronous>, transform_indices = @transform_12, window_bounds = array<i64: 1, 512>}, {pipeline_mode = #tpu.pipeline_mode<synchronous>, transform_indices = @transform_13, window_bounds = array<i64: 1, 512>}, {pipeline_mode = #tpu.pipeline_mode<synchronous>, transform_indices = @transform_14, window_bounds = array<i64: 1, 256>}, {pipeline_mode = #tpu.pipeline_mode<synchronous>, transform_indices = @transform_15, window_bounds = array<i64: 1, 256>}, {pipeline_mode = #tpu.pipeline_mode<synchronous>, transform_indices = @transform_16, window_bounds = array<i64: 1, 128>}, {pipeline_mode = #tpu.pipeline_mode<synchronous>, transform_indices = @transform_17, window_bounds = array<i64: 1, 128>}, {pipeline_mode = #tpu.pipeline_mode<synchronous>, transform_indices = @transform_18, window_bounds = array<i64: 1, 64>}, {pipeline_mode = #tpu.pipeline_mode<synchronous>, transform_indices = @transform_19, window_bounds = array<i64: 1, 64>}, {transform_indices = @transform_20, window_bounds = array<i64: 2048, 1>}]} {
    %get3A = arith.constant 0 : index
    %get3A_0 = arith.constant 0 : index
    %get3A_1 = vector.load %arg1[%get3A, %get3A_0] : memref<2048x128xf32, #tpu.memory_space<vmem>>, vector<2048x128xf32>
    %get3A_2 = arith.constant 0 : index
    %get3A_3 = arith.constant 0 : index
    %get3A_4 = vector.load %arg3[%get3A_2, %get3A_3] : memref<256x512xf32, #tpu.memory_space<vmem>>, vector<128x512xf32>
    %dot_general3A = arith.constant dense<0.000000e+00> : vector<2048x512xf32>
    %dot_general3A_5 = tpu.matmul %get3A_1, %get3A_4, %dot_general3A {dimension_numbers = #tpu.dot_dimension_numbers<[1], [0], [0], [1], [0, 0, 1, 1], [], []>, transpose_lhs_hint = false} : vector<2048x128xf32>, vector<128x512xf32>, vector<2048x512xf32> -> vector<2048x512xf32>
    %get3A_6 = arith.constant 0 : index
    %get3A_7 = arith.constant 0 : index
    %get3A_8 = vector.load %arg2[%get3A_6, %get3A_7] : memref<2048x128xf32, #tpu.memory_space<vmem>>, vector<2048x128xf32>
    %get3A_9 = arith.constant 128 : index
    %get3A_10 = arith.constant 0 : index
    %get3A_11 = vector.load %arg3[%get3A_9, %get3A_10] : memref<256x512xf32, #tpu.memory_space<vmem>>, vector<128x512xf32>
    %dot_general3A_12 = arith.constant dense<0.000000e+00> : vector<2048x512xf32>
    %dot_general3A_13 = tpu.matmul %get3A_8, %get3A_11, %dot_general3A_12 {dimension_numbers = #tpu.dot_dimension_numbers<[1], [0], [0], [1], [0, 0, 1, 1], [], []>, transpose_lhs_hint = false} : vector<2048x128xf32>, vector<128x512xf32>, vector<2048x512xf32> -> vector<2048x512xf32>
    %add3A = arith.addf %dot_general3A_5, %dot_general3A_13 : vector<2048x512xf32>
    %get3A_14 = arith.constant 0 : index
    %get3A_15 = arith.constant 0 : index
    %get3A_16 = vector.load %arg4[%get3A_14, %get3A_15] : memref<1x512xf32, #tpu.memory_space<vmem>>, vector<1x512xf32>
    %add3A_17 = vector.broadcast %get3A_16 : vector<1x512xf32> to vector<2048x512xf32>
    %add3A_18 = arith.addf %add3A, %add3A_17 : vector<2048x512xf32>
    %max3A = arith.constant 0.000000e+00 : f32
    %max3A_19 = vector.broadcast %max3A : f32 to vector<2048x512xf32>
    %max3A_20 = arith.maximumf %add3A_18, %max3A_19 : vector<2048x512xf32>
    %get3A_21 = arith.constant 0 : index
    %get3A_22 = arith.constant 0 : index
    %get3A_23 = vector.load %arg13[%get3A_21, %get3A_22] : memref<1x512xf32, #tpu.memory_space<vmem>>, vector<1x512xf32>
    %mul3A = arith.constant 0.999994993 : f32
    %mul3A_24 = vector.broadcast %mul3A : f32 to vector<1x512xf32>
    %mul3A_25 = arith.mulf %get3A_23, %mul3A_24 : vector<1x512xf32>
    %mul3A_26 = vector.broadcast %mul3A_25 : vector<1x512xf32> to vector<2048x512xf32>
    %mul3A_27 = arith.mulf %max3A_20, %mul3A_26 : vector<2048x512xf32>
    %get3A_28 = arith.constant 0 : index
    %get3A_29 = arith.constant 0 : index
    %get3A_30 = vector.load %arg14[%get3A_28, %get3A_29] : memref<1x512xf32, #tpu.memory_space<vmem>>, vector<1x512xf32>
    %add3A_31 = vector.broadcast %get3A_30 : vector<1x512xf32> to vector<2048x512xf32>
    %add3A_32 = arith.addf %mul3A_27, %add3A_31 : vector<2048x512xf32>
    %get3A_33 = arith.constant 0 : index
    %get3A_34 = arith.constant 0 : index
    %get3A_35 = vector.load %arg5[%get3A_33, %get3A_34] : memref<512x256xf32, #tpu.memory_space<vmem>>, vector<512x256xf32>
    %dot_general3A_36 = arith.constant dense<0.000000e+00> : vector<2048x256xf32>
    %dot_general3A_37 = tpu.matmul %add3A_32, %get3A_35, %dot_general3A_36 {dimension_numbers = #tpu.dot_dimension_numbers<[1], [0], [0], [1], [0, 0, 1, 1], [], []>, transpose_lhs_hint = false} : vector<2048x512xf32>, vector<512x256xf32>, vector<2048x256xf32> -> vector<2048x256xf32>
    %get3A_38 = arith.constant 0 : index
    %get3A_39 = arith.constant 0 : index
    %get3A_40 = vector.load %arg6[%get3A_38, %get3A_39] : memref<1x256xf32, #tpu.memory_space<vmem>>, vector<1x256xf32>
    %add3A_41 = vector.broadcast %get3A_40 : vector<1x256xf32> to vector<2048x256xf32>
    %add3A_42 = arith.addf %dot_general3A_37, %add3A_41 : vector<2048x256xf32>
    %max3A_43 = arith.constant 0.000000e+00 : f32
    %max3A_44 = vector.broadcast %max3A_43 : f32 to vector<2048x256xf32>
    %max3A_45 = arith.maximumf %add3A_42, %max3A_44 : vector<2048x256xf32>
    %get3A_46 = arith.constant 0 : index
    %get3A_47 = arith.constant 0 : index
    %get3A_48 = vector.load %arg15[%get3A_46, %get3A_47] : memref<1x256xf32, #tpu.memory_space<vmem>>, vector<1x256xf32>
    %mul3A_49 = arith.constant 0.999994993 : f32
    %mul3A_50 = vector.broadcast %mul3A_49 : f32 to vector<1x256xf32>
    %mul3A_51 = arith.mulf %get3A_48, %mul3A_50 : vector<1x256xf32>
    %mul3A_52 = vector.broadcast %mul3A_51 : vector<1x256xf32> to vector<2048x256xf32>
    %mul3A_53 = arith.mulf %max3A_45, %mul3A_52 : vector<2048x256xf32>
    %get3A_54 = arith.constant 0 : index
    %get3A_55 = arith.constant 0 : index
    %get3A_56 = vector.load %arg16[%get3A_54, %get3A_55] : memref<1x256xf32, #tpu.memory_space<vmem>>, vector<1x256xf32>
    %add3A_57 = vector.broadcast %get3A_56 : vector<1x256xf32> to vector<2048x256xf32>
    %add3A_58 = arith.addf %mul3A_53, %add3A_57 : vector<2048x256xf32>
    %get3A_59 = arith.constant 0 : index
    %get3A_60 = arith.constant 0 : index
    %get3A_61 = vector.load %arg7[%get3A_59, %get3A_60] : memref<256x128xf32, #tpu.memory_space<vmem>>, vector<256x128xf32>
    %dot_general3A_62 = arith.constant dense<0.000000e+00> : vector<2048x128xf32>
    %dot_general3A_63 = tpu.matmul %add3A_58, %get3A_61, %dot_general3A_62 {dimension_numbers = #tpu.dot_dimension_numbers<[1], [0], [0], [1], [0, 0, 1, 1], [], []>, transpose_lhs_hint = false} : vector<2048x256xf32>, vector<256x128xf32>, vector<2048x128xf32> -> vector<2048x128xf32>
    %get3A_64 = arith.constant 0 : index
    %get3A_65 = arith.constant 0 : index
    %get3A_66 = vector.load %arg8[%get3A_64, %get3A_65] : memref<1x128xf32, #tpu.memory_space<vmem>>, vector<1x128xf32>
    %add3A_67 = vector.broadcast %get3A_66 : vector<1x128xf32> to vector<2048x128xf32>
    %add3A_68 = arith.addf %dot_general3A_63, %add3A_67 : vector<2048x128xf32>
    %max3A_69 = arith.constant 0.000000e+00 : f32
    %max3A_70 = vector.broadcast %max3A_69 : f32 to vector<2048x128xf32>
    %max3A_71 = arith.maximumf %add3A_68, %max3A_70 : vector<2048x128xf32>
    %get3A_72 = arith.constant 0 : index
    %get3A_73 = arith.constant 0 : index
    %get3A_74 = vector.load %arg17[%get3A_72, %get3A_73] : memref<1x128xf32, #tpu.memory_space<vmem>>, vector<1x128xf32>
    %mul3A_75 = arith.constant 0.999994993 : f32
    %mul3A_76 = vector.broadcast %mul3A_75 : f32 to vector<1x128xf32>
    %mul3A_77 = arith.mulf %get3A_74, %mul3A_76 : vector<1x128xf32>
    %mul3A_78 = vector.broadcast %mul3A_77 : vector<1x128xf32> to vector<2048x128xf32>
    %mul3A_79 = arith.mulf %max3A_71, %mul3A_78 : vector<2048x128xf32>
    %get3A_80 = arith.constant 0 : index
    %get3A_81 = arith.constant 0 : index
    %get3A_82 = vector.load %arg18[%get3A_80, %get3A_81] : memref<1x128xf32, #tpu.memory_space<vmem>>, vector<1x128xf32>
    %add3A_83 = vector.broadcast %get3A_82 : vector<1x128xf32> to vector<2048x128xf32>
    %add3A_84 = arith.addf %mul3A_79, %add3A_83 : vector<2048x128xf32>
    %get3A_85 = arith.constant 0 : index
    %get3A_86 = arith.constant 0 : index
    %get3A_87 = vector.load %arg9[%get3A_85, %get3A_86] : memref<128x64xf32, #tpu.memory_space<vmem>>, vector<128x64xf32>
    %dot_general3A_88 = arith.constant dense<0.000000e+00> : vector<2048x64xf32>
    %dot_general3A_89 = tpu.matmul %add3A_84, %get3A_87, %dot_general3A_88 {dimension_numbers = #tpu.dot_dimension_numbers<[1], [0], [0], [1], [0, 0, 1, 1], [], []>, transpose_lhs_hint = false} : vector<2048x128xf32>, vector<128x64xf32>, vector<2048x64xf32> -> vector<2048x64xf32>
    %get3A_90 = arith.constant 0 : index
    %get3A_91 = arith.constant 0 : index
    %get3A_92 = vector.load %arg10[%get3A_90, %get3A_91] : memref<1x64xf32, #tpu.memory_space<vmem>>, vector<1x64xf32>
    %add3A_93 = vector.broadcast %get3A_92 : vector<1x64xf32> to vector<2048x64xf32>
    %add3A_94 = arith.addf %dot_general3A_89, %add3A_93 : vector<2048x64xf32>
    %max3A_95 = arith.constant 0.000000e+00 : f32
    %max3A_96 = vector.broadcast %max3A_95 : f32 to vector<2048x64xf32>
    %max3A_97 = arith.maximumf %add3A_94, %max3A_96 : vector<2048x64xf32>
    %get3A_98 = arith.constant 0 : index
    %get3A_99 = arith.constant 0 : index
    %get3A_100 = vector.load %arg19[%get3A_98, %get3A_99] : memref<1x64xf32, #tpu.memory_space<vmem>>, vector<1x64xf32>
    %mul3A_101 = arith.constant 0.999994993 : f32
    %mul3A_102 = vector.broadcast %mul3A_101 : f32 to vector<1x64xf32>
    %mul3A_103 = arith.mulf %get3A_100, %mul3A_102 : vector<1x64xf32>
    %mul3A_104 = vector.broadcast %mul3A_103 : vector<1x64xf32> to vector<2048x64xf32>
    %mul3A_105 = arith.mulf %max3A_97, %mul3A_104 : vector<2048x64xf32>
    %get3A_106 = arith.constant 0 : index
    %get3A_107 = arith.constant 0 : index
    %get3A_108 = vector.load %arg20[%get3A_106, %get3A_107] : memref<1x64xf32, #tpu.memory_space<vmem>>, vector<1x64xf32>
    %add3A_109 = vector.broadcast %get3A_108 : vector<1x64xf32> to vector<2048x64xf32>
    %add3A_110 = arith.addf %mul3A_105, %add3A_109 : vector<2048x64xf32>
    %get3A_111 = arith.constant 0 : index
    %get3A_112 = arith.constant 0 : index
    %get3A_113 = vector.load %arg11[%get3A_111, %get3A_112] : memref<64x1xf32, #tpu.memory_space<vmem>>, vector<64x1xf32>
    %dot_general3A_114 = arith.constant dense<0.000000e+00> : vector<2048x1xf32>
    %dot_general3A_115 = tpu.matmul %add3A_110, %get3A_113, %dot_general3A_114 {dimension_numbers = #tpu.dot_dimension_numbers<[1], [0], [0], [1], [0, 0, 1, 1], [], []>, transpose_lhs_hint = false} : vector<2048x64xf32>, vector<64x1xf32>, vector<2048x1xf32> -> vector<2048x1xf32>
    %get3A_116 = arith.constant 0 : index
    %get3A_117 = arith.constant 0 : index
    %get3A_118 = vector.load %arg12[%get3A_116, %get3A_117] : memref<1x1xf32, #tpu.memory_space<vmem>>, vector<1x1xf32>
    %add3A_119 = vector.broadcast %get3A_118 : vector<1x1xf32> to vector<2048x1xf32>
    %add3A_120 = arith.addf %dot_general3A_115, %add3A_119 : vector<2048x1xf32>
    %neg3A = arith.constant 0.000000e+00 : f32
    %neg3A_121 = vector.broadcast %neg3A : f32 to vector<2048x1xf32>
    %neg3A_122 = arith.subf %neg3A_121, %add3A_120 : vector<2048x1xf32>
    %exp3A = math.exp %neg3A_122 : vector<2048x1xf32>
    %add3A_123 = arith.constant 1.000000e+00 : f32
    %add3A_124 = vector.broadcast %add3A_123 : f32 to vector<2048x1xf32>
    %add3A_125 = arith.addf %add3A_124, %exp3A : vector<2048x1xf32>
    %div3A = arith.constant 1.000000e+00 : f32
    %div3A_126 = vector.broadcast %div3A : f32 to vector<2048x1xf32>
    %div3A_127 = arith.divf %div3A_126, %add3A_125 : vector<2048x1xf32>
    %swap3A = arith.constant 0 : index
    %swap3A_128 = arith.constant 0 : index
    %swap3A_129 = vector.load %arg21[%swap3A, %swap3A_128] : memref<2048x1xf32, #tpu.memory_space<vmem>>, vector<2048x1xf32>
    tpu.vector_store %arg21[%swap3A, %swap3A_128], %div3A_127 {strides = array<i32>} : memref<2048x1xf32, #tpu.memory_space<vmem>>, vector<2048x1xf32>,
    return
  }
  func.func @transform_0(%arg0: i32) -> (i32, i32) {
    %c0_i32 = arith.constant 0 : i32
    %c0_i32_0 = arith.constant 0 : i32
    return %arg0, %c0_i32 : i32, i32
  }
  func.func @transform_1(%arg0: i32) -> (i32, i32) {
    %c0_i32 = arith.constant 0 : i32
    %c0_i32_0 = arith.constant 0 : i32
    return %arg0, %c0_i32 : i32, i32
  }
  func.func @transform_2(%arg0: i32) -> (i32, i32) {
    %c0_i32 = arith.constant 0 : i32
    %c0_i32_0 = arith.constant 0 : i32
    %c0_i32_1 = arith.constant 0 : i32
    return %c0_i32, %c0_i32_0 : i32, i32
  }
  func.func @transform_3(%arg0: i32) -> (i32, i32) {
    %c0_i32 = arith.constant 0 : i32
    %c0_i32_0 = arith.constant 0 : i32
    %c0_i32_1 = arith.constant 0 : i32
    return %c0_i32, %c0_i32_0 : i32, i32
  }
  func.func @transform_4(%arg0: i32) -> (i32, i32) {
    %c0_i32 = arith.constant 0 : i32
    %c0_i32_0 = arith.constant 0 : i32
    %c0_i32_1 = arith.constant 0 : i32
    return %c0_i32, %c0_i32_0 : i32, i32
  }
  func.func @transform_5(%arg0: i32) -> (i32, i32) {
    %c0_i32 = arith.constant 0 : i32
    %c0_i32_0 = arith.constant 0 : i32
    %c0_i32_1 = arith.constant 0 : i32
    return %c0_i32, %c0_i32_0 : i32, i32
  }
  func.func @transform_6(%arg0: i32) -> (i32, i32) {
    %c0_i32 = arith.constant 0 : i32
    %c0_i32_0 = arith.constant 0 : i32
    %c0_i32_1 = arith.constant 0 : i32
    return %c0_i32, %c0_i32_0 : i32, i32
  }
  func.func @transform_7(%arg0: i32) -> (i32, i32) {
    %c0_i32 = arith.constant 0 : i32
    %c0_i32_0 = arith.constant 0 : i32
    %c0_i32_1 = arith.constant 0 : i32
    return %c0_i32, %c0_i32_0 : i32, i32
  }
  func.func @transform_8(%arg0: i32) -> (i32, i32) {
    %c0_i32 = arith.constant 0 : i32
    %c0_i32_0 = arith.constant 0 : i32
    %c0_i32_1 = arith.constant 0 : i32
    return %c0_i32, %c0_i32_0 : i32, i32
  }
  func.func @transform_9(%arg0: i32) -> (i32, i32) {
    %c0_i32 = arith.constant 0 : i32
    %c0_i32_0 = arith.constant 0 : i32
    %c0_i32_1 = arith.constant 0 : i32
    return %c0_i32, %c0_i32_0 : i32, i32
  }
  func.func @transform_10(%arg0: i32) -> (i32, i32) {
    %c0_i32 = arith.constant 0 : i32
    %c0_i32_0 = arith.constant 0 : i32
    %c0_i32_1 = arith.constant 0 : i32
    return %c0_i32, %c0_i32_0 : i32, i32
  }
  func.func @transform_11(%arg0: i32) -> (i32, i32) {
    %c0_i32 = arith.constant 0 : i32
    %c0_i32_0 = arith.constant 0 : i32
    %c0_i32_1 = arith.constant 0 : i32
    return %c0_i32, %c0_i32_0 : i32, i32
  }
  func.func @transform_12(%arg0: i32) -> (i32, i32) {
    %c0_i32 = arith.constant 0 : i32
    %c0_i32_0 = arith.constant 0 : i32
    %c0_i32_1 = arith.constant 0 : i32
    return %c0_i32, %c0_i32_0 : i32, i32
  }
  func.func @transform_13(%arg0: i32) -> (i32, i32) {
    %c0_i32 = arith.constant 0 : i32
    %c0_i32_0 = arith.constant 0 : i32
    %c0_i32_1 = arith.constant 0 : i32
    return %c0_i32, %c0_i32_0 : i32, i32
  }
  func.func @transform_14(%arg0: i32) -> (i32, i32) {
    %c0_i32 = arith.constant 0 : i32
    %c0_i32_0 = arith.constant 0 : i32
    %c0_i32_1 = arith.constant 0 : i32
    return %c0_i32, %c0_i32_0 : i32, i32
  }
  func.func @transform_15(%arg0: i32) -> (i32, i32) {
    %c0_i32 = arith.constant 0 : i32
    %c0_i32_0 = arith.constant 0 : i32
    %c0_i32_1 = arith.constant 0 : i32
    return %c0_i32, %c0_i32_0 : i32, i32
  }
  func.func @transform_16(%arg0: i32) -> (i32, i32) {
    %c0_i32 = arith.constant 0 : i32
    %c0_i32_0 = arith.constant 0 : i32
    %c0_i32_1 = arith.constant 0 : i32
    return %c0_i32, %c0_i32_0 : i32, i32
  }
  func.func @transform_17(%arg0: i32) -> (i32, i32) {
    %c0_i32 = arith.constant 0 : i32
    %c0_i32_0 = arith.constant 0 : i32
    %c0_i32_1 = arith.constant 0 : i32
    return %c0_i32, %c0_i32_0 : i32, i32
  }
  func.func @transform_18(%arg0: i32) -> (i32, i32) {
    %c0_i32 = arith.constant 0 : i32
    %c0_i32_0 = arith.constant 0 : i32
    %c0_i32_1 = arith.constant 0 : i32
    return %c0_i32, %c0_i32_0 : i32, i32
  }
  func.func @transform_19(%arg0: i32) -> (i32, i32) {
    %c0_i32 = arith.constant 0 : i32
    %c0_i32_0 = arith.constant 0 : i32
    %c0_i32_1 = arith.constant 0 : i32
    return %c0_i32, %c0_i32_0 : i32, i32
  }
  func.func @transform_20(%arg0: i32) -> (i32, i32) {
    %c0_i32 = arith.constant 0 : i32
    %c0_i32_0 = arith.constant 0 : i32
    return %arg0, %c0_i32 : i32, i32
  }
}

</mosaic_0001>

<sc_bundles>
// kernel: kernel.6.cloned.1.call-start
scs
__scs_entry_jumppad:
0x0: {  	(pc) =	sbr.rel $0x88, $3  }
0x1: {  	(tag) =	ssettag $0x0;
	lr =	simm.s32 $0x1  }
0x2: {  	[smem:$0x3F8B] =	sst lr;
	_ =	strace $0xD0000000  }
0x3: {  	_ = 	snop  }
0x4: {  	_ = 	snop  }
0x5: {  	_ = 	snop  }
0x6: {  	_ = 	snop  }
0x7: {  	_ = 	snop  }
__scs_overlays_trampoline_lowered:
0x8: {  	[smem:$0x3F9A] =	sst s0  }
0x9: {  	[smem:$0x3F9B] =	sst s1  }
0xa: {  	[smem:$0x3F9C] =	sst s2  }
0xb: {  	[smem:$0x3F9D] =	sst s3  }
0xc: {  	[smem:$0x3F9E] =	sst s4  }
0xd: {  	[smem:$0x3F9F] =	sst s5  }
0xe: {  	[smem:$0x3FA0] =	sst s6  }
0xf: {  	[smem:$0x3FA1] =	sst s7  }
0x10: {  	[smem:$0x3FA2] =	sst s8  }
0x11: {  	[smem:$0x3FA3] =	sst s9;
	s0 =	simm.s32 @!p0 $0x0  }
0x12: {  	s1 =	sld [smem:$0x3F89];
	s0 =	simm.s32 @p0 $0x1  }
0x13: {  	[smem:$0x3FA4] =	sst s0;
	s0 =	simm.s32 @!p1 $0x0  }
0x14: {  	s2 =	sld [smem:$0x3F88];
	s0 =	simm.s32 @p1 $0x1  }
0x15: {  	[smem:$0x3FA5] =	sst s0;
	s0 =	simm.s32 @!p2 $0x0  }
0x16: {  	s3 =	sld [smem:$0x3FDB];
	s0 =	simm.s32 @p2 $0x1  }
0x17: {  	s4 =	simm.s32 $0x1BF5;
	[smem:$0x3FA7] =	sst s0  }
0x18: {  	s0 =	sld [smem:$0x3F8A];
	_ =	swait.ge [sflag:s4], $0x0  }
0x19: {  	s7 =	sld [smem:$0x3F8B]  }
0x1a: {  	s8 =	sadd.s32 $0xFFFFE003, lr  }
0x1b: {  	s9 =	sadd.s32 $0xFFFFFEF7, lr;
	s5 =	simm.s32 $0xFFFFFFFF;
	p2 =	slt.u32 s8, $0xFFFFF086  }
0x1c: {  	p1 =	slt.u32 s9, $0xF7A;
	s5 =	simm.s32 @!p2 $0x0  }
0x1d: {  	s5 =	simm.s32 @p1 $0x1;
	p0 =	seq.s32 s7, s2  }
0x1e: {  	s7 =	smul.u32 @!p0 $0xF7A, s2;
	p2 =	seq.s32 @!p0 s5, $0x0  }
0x1f: {  	s9 =	smul.u32 $0xF7A, s1;
	s8 =	simm.s32 @!p0 $0x1BF5;
	p2 =	por !p2, p0  }
0x20: {  	[sflag:s8] =	ssyncset.s32 @!p0 $0xFFFFF086;
	s6 =	sadd.s32 @!p0 s3, s7;
	s7 =	simm.s32 @!p0 $0x108  }
0x21: {  	s3 =	sadd.s32 s3, s9;
	s6 =	sadd.s32 @!p0 $0x88, s6;
	s7 =	simm.s32 @p2 $0x1082  }
0x22: {  	[simem:s7], [sflag:s8] =	dma.local @!p0 [hbm:s6], $0xF7A  }
0x23: {  	s9 =	sor.u32 $0xD0000000, s2;
	s6 =	simm.s32 $0x108;
	_ =	swait.ge @!p0 [sflag:s8], $0x0  }
0x24: {  	s3 =	sadd.s32 $0x88, s3;
	s6 =	simm.s32 @!p1 $0x1082;
	[sflag:s4] =	ssyncset.s32 $0xFFFFF086  }
0x25: {  	[simem:s6], [sflag:s4] =	dma.local [hbm:s3], $0xF7A  }
0x26: {  	[smem:$0x3F8B] =	sst s1;
	(tag) =	ssettag s2;
	_ =	strace s9  }
0x27: {  	s1 =	sld [smem:$0x3F9B]  }
0x28: {  	s2 =	sld [smem:$0x3F9C]  }
0x29: {  	s4 =	sld [smem:$0x3F9E]  }
0x2a: {  	p0 =	seq.s32 s5, $0x0;
	s5 =	sld [smem:$0x3F9F]  }
0x2b: {  	s6 =	sld [smem:$0x3FA0]  }
0x2c: {  	s7 =	sld [smem:$0x3FA1]  }
0x2d: {  	s3 =	simm.s32 $0x108;
	s8 =	sld [smem:$0x3FA2]  }
0x2e: {  	s3 =	simm.s32 @!p0 $0x1082;
	s9 =	sld [smem:$0x3FA3]  }
0x2f: {  	lr =	sadd.s32 s0, s3;
	s0 =	sld [smem:$0x3F9A]  }
0x30: {  	s3 =	sld [smem:$0x3F9D]  }
0x31: {  	[smem:$0x3FA6] =	sst s10  }
0x32: {  	s10 =	sld [smem:$0x3FA4];
	_ =	sdelay $0x3  }
0x33: {  	p0 =	seq.s32 s10, $0x1;
	s10 =	sld [smem:$0x3FA6];
	_ =	sdelay $0x3  }
0x34: {  	[smem:$0x3FA6] =	sst s10  }
0x35: {  	s10 =	sld [smem:$0x3FA5];
	_ =	sdelay $0x3  }
0x36: {  	p1 =	seq.s32 s10, $0x1;
	s10 =	sld [smem:$0x3FA6];
	_ =	sdelay $0x3  }
0x37: {  	[smem:$0x3FA6] =	sst s10  }
0x38: {  	s10 =	sld [smem:$0x3FA7]  }
0x39: {  	_ = 	snop;
	(pc) =	sbr.ind lr, $3  }
0x3a: {  	_ = 	snop  }
0x3b: {  	_ = 	snop  }
0x3c: {  	p2 =	seq.s32 s10, $0x1;
	s10 =	sld [smem:$0x3FA6]  }
0x3d: {  	_ =	shalt  }
0x3e: {  	_ =	shalt  }
0x3f: {  	_ =	shalt  }
0x40: {  	_ =	shalt  }
0x41: {  	_ =	shalt  }
0x42: {  	_ =	shalt  }
0x43: {  	_ =	shalt  }
0x44: {  	_ =	shalt  }
0x45: {  	_ =	shalt  }
0x46: {  	_ =	shalt  }
0x47: {  	_ =	shalt  }
0x48: {  	_ =	shalt  }
0x49: {  	_ =	shalt  }
0x4a: {  	_ =	shalt  }
0x4b: {  	_ =	shalt  }
0x4c: {  	_ =	shalt  }
0x4d: {  	_ =	shalt  }
0x4e: {  	_ =	shalt  }
0x4f: {  	_ =	shalt  }
0x50: {  	_ =	shalt  }
0x51: {  	_ =	shalt  }
0x52: {  	_ =	shalt  }
0x53: {  	_ =	shalt  }
0x54: {  	_ =	shalt  }
0x55: {  	_ =	shalt  }
0x56: {  	_ =	shalt  }
0x57: {  	_ =	shalt  }
0x58: {  	_ =	shalt  }
0x59: {  	_ =	shalt  }
0x5a: {  	_ =	shalt  }
0x5b: {  	_ =	shalt  }
0x5c: {  	_ =	shalt  }
0x5d: {  	_ =	shalt  }
0x5e: {  	_ =	shalt  }
0x5f: {  	_ =	shalt  }
0x60: {  	_ =	shalt  }
0x61: {  	_ =	shalt  }
0x62: {  	_ =	shalt  }
0x63: {  	_ =	shalt  }
0x64: {  	_ =	shalt  }
0x65: {  	_ =	shalt  }
0x66: {  	_ =	shalt  }
0x67: {  	_ =	shalt  }
0x68: {  	_ =	shalt  }
0x69: {  	_ =	shalt  }
0x6a: {  	_ =	shalt  }
0x6b: {  	_ =	shalt  }
0x6c: {  	_ =	shalt  }
0x6d: {  	_ =	shalt  }
0x6e: {  	_ =	shalt  }
0x6f: {  	_ =	shalt  }
0x70: {  	_ =	shalt  }
0x71: {  	_ =	shalt  }
0x72: {  	_ =	shalt  }
0x73: {  	_ =	shalt  }
0x74: {  	_ =	shalt  }
0x75: {  	_ =	shalt  }
0x76: {  	_ =	shalt  }
0x77: {  	_ =	shalt  }
0x78: {  	_ =	shalt  }
0x79: {  	_ =	shalt  }
0x7a: {  	_ =	shalt  }
0x7b: {  	_ =	shalt  }
0x7c: {  	_ =	shalt  }
0x7d: {  	_ =	shalt  }
0x7e: {  	_ =	shalt  }
0x7f: {  	_ =	shalt  }
0x80: {  	_ =	shalt  }
0x81: {  	_ =	shalt  }
0x82: {  	_ =	shalt  }
0x83: {  	_ =	shalt  }
0x84: {  	_ =	shalt  }
0x85: {  	_ =	shalt  }
0x86: {  	_ =	shalt  }
0x87: {  	_ =	shalt  }
.Lfunc_end0:
.L_simem_size_0:
called_computation_lowered:
.L_overlay_start_0:
0x88: {  	s2 =	sld [smem:$0x3FD9]  }
0x89: {  	s3 =	sld [smem:$0x3FFE];
	_ =	sdelay $0x1  }
0x8a: {  	s1 =	srdreg.scid  }
0x8b: {  	s0 =	sand.u32 $0x1, s1  }
0x8c: {  	s17 =	sshll.u32 s0, $0xA;
	s2 =	sadd.s32 s3, s2  }
0x8d: {  	s2 =	sadd.s32 s2, s17  }
0x8e: {  	[smem:$0x3FB2] =	sst s2  }
0x8f: {  	_ = 	snop  }
0x90: {  	s2 =	sld [smem:$0x3FC7]  }
0x91: {  	s18 =	sld [smem:$0x3FC6];
	(tm) =	ssettm $0x1  }
0x92: {  	s4 =	sld [smem:$0x3FFB];
	_ =	sdelay $0x3  }
0x93: {  	_ =	strace s4  }
0x94: {  	s4 =	sld [smem:$0x3FFC];
	_ =	sdelay $0x3  }
0x95: {  	_ =	strace s4  }
0x96: {  	s4 =	sld [smem:$0x3FFD];
	_ =	sdelay $0x3  }
0x97: {  	_ =	strace s4  }
0x98: {  	_ =	strace $0x8FFFFFFF  }
0x99: {  	s19 =	sld [smem:$0x3FDB];
	_ =	sdelay $0x1  }
0x9a: {  	s5 =	simm.s32 $_scs_section_size  }
0x9b: {  	s6 =	simm.s32 $_size__tile_overlayer_lowered;
	s7 =	simm.s32 $_tile_overlayer_lowered  }
0x9c: {  	s22 =	simm.s32 $0x1BFF;
	s21 =	sshll.u32 s7, $0x1;
	s4 =	sadd.s32 s5, s19  }
0x9d: {  	s8 =	simm.s32 $0x0;
	s20 =	sshll.u32 s6, $0x1;
	s6 =	sadd.s32 s21, s4  }
0x9e: {  	[timem:s8], [sflag:s22] =	dma.local [hbm:s6], s20  }
0x9f: {  	_ =	swait.ge [sflag:s22], s20  }
0xa0: {  	s5 =	ssub.s32 $0x0, s20;
	[sflag:s22] =	ssyncset.done $0x0  }
0xa1: {  	[sflag:s22] =	ssyncadd.s32 s5;
	_ =	sdelay $0x1  }
0xa2: {  	s23 =	simm.s32 $0x1B8B  }
0xa3: {  	_ =	swait.ge [sflag:s23], $0x1  }
0xa4: {  	[sflag:s23] =	ssyncset.done $0x0  }
0xa5: {  	s25 =	simm.s32 $0x1B8E;
	s24 =	sld [smem:$0x3FFE];
	[sflag:s23] =	ssyncadd.s32 $0xFFFFFFFF  }
0xa6: {  	s26 =	simm.s32 $execute0_lowered;
	[smem:$0x3FD2] =	sst s25  }
0xa7: {  	s6 =	sshll.u32 s26, $0x1;
	_ =	strace $0x80000046;
	[dreg:$0x1] =	wrdreg $0xFFFFFFFF  }
0xa8: {  	s28 =	simm.s32 $_size_execute0_lowered;
	s4 =	sadd.s32 s4, s6;
	[dreg:$0x0] =	wrdreg $0x0  }
0xa9: {  	s6 =	sshll.u32 s28, $0x1;
	[dreg:$0x2] =	wrdreg s4  }
0xaa: {  	[dreg:$0x3] =	wrdreg s6  }
0xab: {  	[dreg:$0x4] =	wrdreg $0xC0  }
0xac: {  	_ =	task [dreg:s8], $0x5FFFF  }
0xad: {  	[dreg:$0x1] =	wrdreg $0xFFFFFFFF  }
0xae: {  	[dreg:$0x0] =	wrdreg $0x60  }
0xaf: {  	[dreg:$0x2] =	wrdreg s24  }
0xb0: {  	[dreg:$0x3] =	wrdreg s2  }
0xb1: {  	[dreg:$0x4] =	wrdreg s18  }
0xb2: {  	[dreg:$0x5] =	wrdreg $0x9  }
0xb3: {  	_ =	task.clear_ibuf [dreg:s8], $0x6FFFF;
	_ =	strace $0x90000046  }
0xb4: {  	s29 =	simm.s32 $0x9;
	_ =	strace $0x80000048  }
0xb5: {  	_ =	swait.ge [sflag:s29], $0x1  }
0xb6: {  	[sflag:s29] =	ssyncadd.s32 $0xFFFFFFFF  }
0xb7: {  	_ =	strace $0x90000048  }
0xb8: {  	_ =	sfence  }
0xb9: {  	s30 =	sld [smem:$0x0];
	_ =	sdelay $0x2  }
0xba: {  	s31 =	sshll.u32 s1, $0xD;
	s1 =	sshrl.u32 s1, $0x2  }
0xbb: {  	s3 =	sand.u32 $0x4000, s31;
	s1 =	sadd.s32 s1, s30  }
0xbc: {  	s0 =	sor.u32 s3, s0;
	s1 =	sshll.u32 s1, $0x11  }
0xbd: {  	s0 =	sor.u32 s1, s0  }
0xbe: {  	s0 =	sadd.s32 $0x8F2B, s0  }
0xbf: {  	[sflag:s0] =	ssyncadd.remote.s32 $0x1  }
0xc0: {  	_ =	sfence.sel $0xFFFF  }
0xc1: {  	[dreg:$0x0] =	wrdreg $0xFFFFFFFF;
	(pc) =	sbr.abs _section_cstart, $3  }
0xc2: {  	[dreg:$0x1] =	wrdreg $0xFFFFFFFF  }
0xc3: {  	_ =	task.clear_ibuf [dreg:s8], $0x2FFFF;
	_ =	strace $0x9FFFFFFF  }
0xc4: {  	(tm) =	ssettm $0x7FFFFFFF  }
0xc5: {  	_ =	shalt  }
tec
execute0_lowered:
.L_overlay_start_1:
0x0: {  	(tag) =	ssettag $0x1  }
0x1: {  	s11 =	rddreg [dreg:$0x0]  }
0x2: {  	s1 =	srdreg.scid;
	s0 =	stileid.u32  }
0x3: {  	s2 =	rddreg [dreg:$0x1];
	s13 =	sand.u32 $0x1, s1;
	s30 =	sshll.u32 s0, $0x1  }
0x4: {  	s3 =	rddreg [dreg:$0x2];
	s12 =	sor.u32 s13, s30  }
0x5: {  	s4 =	simm.s32 $0x0;
	s1 =	rddreg [dreg:$0x3];
	s5 =	sshll.u32 s12, $0x5  }
0x6: {  	[smem:$0x7FF] =	sst s4;
	s14 =	sadd.s32 s5, s11  }
0x7: {  	_ =	strace $0x80000047;
	s5 =	simm.s32 $0x2;
	s6 =	sadd.s32 $0x4600, s14  }
0x8: {  	[tilespmem:s4], [sflag:$0x2] =	stream.linear.gather [hbm4b:s6+s4], $0x100, $0x38;
	[tilespmem:$0x8100] =	vst v63  }
0x9: {  	_ =	swait.ge [sflag:s5], $0x100  }
0xa: {  	[sflag:s5] =	ssyncset.done $0x0  }
0xb: {  	s7 =	simm.s32 $0x80;
	s8 =	simm.s32 $0x100;
	[sflag:s5] =	ssyncadd.s32 $0xFFFFFF00  }
0xc: {  	[tilespmem:s8], [sflag:$0x1] =	stream.indirect.gather [hbm4b:s2+s7], $0x80, s4, s7, $0xb8;
	[tilespmem:$0x8100] =	vst v63  }
0xd: {  	s9 =	simm.s32 $0x4100;
	s10 =	simm.s32 $0x1  }
0xe: {  	[tilespmem:s9], [sflag:$0x1] =	stream.indirect.gather [hbm4b:s2+s7], $0x80, s7, s7, $0xb8;
	[tilespmem:$0x8100] =	vst v63  }
0xf: {  	_ =	swait.ge [sflag:s10], $0x4000  }
0x10: {  	[sflag:s10] =	ssyncset.done $0x0  }
0x11: {  	[sflag:s10] =	ssyncadd.s32 $0xFFFFC000  }
0x12: {  	s12 =	sshll.u32 s12, $0xC;
	_ =	swait.ge [sflag:s10], $0x4000  }
0x13: {  	s15 =	sadd.s32 s12, s11;
	[sflag:s10] =	ssyncset.done $0x0  }
0x14: {  	s11 =	sadd.s32 $0x4A00, s15;
	[sflag:s10] =	ssyncadd.s32 $0xFFFFC000  }
0x15: {  	[hbm4b:s11+s4] =	stream.linear.scatter [tilespmem:s8], [sflag:$0x2], $0x8000, $0x38;
	[tilespmem:$0x8100] =	vst v63  }
0x16: {  	_ =	swait.ge [sflag:s5], $0x8000  }
0x17: {  	[sflag:s5] =	ssyncset.done $0x0  }
0x18: {  	s12 =	sadd.s32 $0x4200, s14;
	[sflag:s5] =	ssyncadd.s32 $0xFFFF8000  }
0x19: {  	[tilespmem:s4], [sflag:$0x2] =	stream.linear.gather [hbm4b:s12+s4], $0x100, $0x38;
	[tilespmem:$0x8100] =	vst v63  }
0x1a: {  	_ =	swait.ge [sflag:s5], $0x100  }
0x1b: {  	[sflag:s5] =	ssyncset.done $0x0  }
0x1c: {  	[sflag:s5] =	ssyncadd.s32 $0xFFFFFF00  }
0x1d: {  	[tilespmem:s8], [sflag:$0x1] =	stream.indirect.gather [hbm4b:s3+s7], $0x80, s4, s7, $0xb8;
	[tilespmem:$0x8100] =	vst v63  }
0x1e: {  	s13 =	ssub.s32 $0x2, s13  }
0x1f: {  	[tilespmem:s9], [sflag:$0x1] =	stream.indirect.gather [hbm4b:s3+s7], $0x80, s7, s7, $0xb8;
	[tilespmem:$0x8100] =	vst v63  }
0x20: {  	s31 =	sshrl.u32 s13, $0x1;
	_ =	swait.ge [sflag:s10], $0x4000  }
0x21: {  	s14 =	ssub.s32 s13, s31;
	[sflag:s10] =	ssyncset.done $0x0  }
0x22: {  	s14 =	smax.u32 s14, $0x1;
	[sflag:s10] =	ssyncadd.s32 $0xFFFFC000  }
0x23: {  	p0 =	sne.s32 s14, $0x1;
	_ =	swait.ge [sflag:s10], $0x4000  }
.Ltmp0:
0x24: {  	[sflag:s10] =	ssyncset.done $0x0;
	(pc) =	sbr.rel @!p0 .LBB2_2-.Ltmp0, $4  }
0x25: {  	s13 =	sadd.s32 $0x24A00, s15;
	[sflag:s10] =	ssyncadd.s32 $0xFFFFC000  }
0x26: {  	[hbm4b:s13+s4] =	stream.linear.scatter [tilespmem:s8], [sflag:$0x2], $0x8000, $0x38;
	[tilespmem:$0x8100] =	vst v63  }
0x27: {  	_ =	swait.ge [sflag:s5], $0x8000  }
0x28: {  	s14 =	sadd.s32 $0xFFFFFFFF, s14;
	[sflag:s5] =	ssyncset.done $0x0  }
.LBB2_1:
0x29: {  	p0 =	sne.s32 s14, $0x1;
	s14 =	sadd.s32 $0xFFFFFFFF, s14;
	[sflag:s5] =	ssyncadd.s32 $0xFFFF8000  }
0x2a: {  	[tilespmem:s4], [sflag:$0x2] =	stream.linear.gather [hbm4b:s6+s4], $0x100, $0x38;
	[tilespmem:$0x8100] =	vst v63  }
0x2b: {  	_ =	swait.ge [sflag:s5], $0x100  }
0x2c: {  	[sflag:s5] =	ssyncset.done $0x0  }
0x2d: {  	[sflag:s5] =	ssyncadd.s32 $0xFFFFFF00  }
0x2e: {  	[tilespmem:s8], [sflag:$0x1] =	stream.indirect.gather [hbm4b:s2+s7], $0x80, s4, s7, $0xb8;
	[tilespmem:$0x8100] =	vst v63  }
0x2f: {  	_ = 	snop  }
0x30: {  	[tilespmem:s9], [sflag:$0x1] =	stream.indirect.gather [hbm4b:s2+s7], $0x80, s7, s7, $0xb8;
	[tilespmem:$0x8100] =	vst v63  }
0x31: {  	_ =	swait.ge [sflag:s10], $0x4000  }
0x32: {  	[sflag:s10] =	ssyncset.done $0x0  }
0x33: {  	[sflag:s10] =	ssyncadd.s32 $0xFFFFC000  }
0x34: {  	_ =	swait.ge [sflag:s10], $0x4000  }
0x35: {  	[sflag:s10] =	ssyncset.done $0x0  }
0x36: {  	[sflag:s10] =	ssyncadd.s32 $0xFFFFC000  }
0x37: {  	[hbm4b:s11+s4] =	stream.linear.scatter [tilespmem:s8], [sflag:$0x2], $0x8000, $0x38;
	[tilespmem:$0x8100] =	vst v63  }
0x38: {  	_ =	swait.ge [sflag:s5], $0x8000  }
0x39: {  	[sflag:s5] =	ssyncset.done $0x0  }
0x3a: {  	[sflag:s5] =	ssyncadd.s32 $0xFFFF8000  }
0x3b: {  	[tilespmem:s4], [sflag:$0x2] =	stream.linear.gather [hbm4b:s12+s4], $0x100, $0x38;
	[tilespmem:$0x8100] =	vst v63  }
0x3c: {  	_ =	swait.ge [sflag:s5], $0x100  }
0x3d: {  	[sflag:s5] =	ssyncset.done $0x0  }
0x3e: {  	[sflag:s5] =	ssyncadd.s32 $0xFFFFFF00  }
0x3f: {  	[tilespmem:s8], [sflag:$0x1] =	stream.indirect.gather [hbm4b:s3+s7], $0x80, s4, s7, $0xb8;
	[tilespmem:$0x8100] =	vst v63  }
0x40: {  	_ = 	snop  }
0x41: {  	[tilespmem:s9], [sflag:$0x1] =	stream.indirect.gather [hbm4b:s3+s7], $0x80, s7, s7, $0xb8;
	[tilespmem:$0x8100] =	vst v63  }
0x42: {  	_ =	swait.ge [sflag:s10], $0x4000  }
0x43: {  	[sflag:s10] =	ssyncset.done $0x0  }
0x44: {  	[sflag:s10] =	ssyncadd.s32 $0xFFFFC000  }
0x45: {  	_ =	swait.ge [sflag:s10], $0x4000  }
.Ltmp1:
0x46: {  	[sflag:s10] =	ssyncset.done $0x0;
	(pc) =	sbr.rel @p0 .LBB2_1-.Ltmp1, $4  }
0x47: {  	[sflag:s10] =	ssyncadd.s32 $0xFFFFC000  }
0x48: {  	[hbm4b:s13+s4] =	stream.linear.scatter [tilespmem:s8], [sflag:$0x2], $0x8000, $0x38;
	[tilespmem:$0x8100] =	vst v63  }
0x49: {  	_ =	swait.ge [sflag:s5], $0x8000  }
0x4a: {  	[sflag:s5] =	ssyncset.done $0x0  }
.LBB2_2:
0x4b: {  	[sflag:s5] =	ssyncadd.s32 $0xFFFF8000  }
0x4c: {  	_ =	sfence.sel $0x180000  }
0x4d: {  	[bflag:$0x0] =	sbarrier.arrive $0xFFFF  }
0x4e: {  	p0 =	sne.s32 s0, $0x0;
	_ =	strace $0x90000047  }
0x4f: {  	s0 =	sadd.s32 @!p0 $0x100000, s1;
	[bflag:$0x2] =	sbarrier.arrive $0xFFFF  }
0x50: {  	[sflag:s0] =	ssyncadd.tile.s32 @!p0 $0x1;
	_ =	shalt  }
.Lfunc_end2:
_tile_overlayer_lowered:
.L_overlay_start_2:
0x51: {  	(tag) =	ssettag $0x2  }
0x52: {  	s0 =	rddreg [dreg:$0x0];
	s2 =	stileid.u32  }
0x53: {  	s1 =	rddreg [dreg:$0x1];
	p0 =	sne.s32 s2, $0x0  }
0x54: {  	s3 =	rddreg [dreg:$0x2];
	[bflag:$0x3] =	sbarrier.arrive $0xFFFF;
	s2 =	simm.s32 @!p0 $0x1C02  }
0x55: {  	[timem:s3], [sflag:s2] =	dma.local @!p0 [hbm:s0], s1  }
0x56: {  	s0 =	simm.s32 @!p0 $0x2  }
0x57: {  	_ =	swait.ge @!p0 [sflag:s0], s1  }
0x58: {  	s1 =	ssub.s32 @!p0 $0x0, s1;
	[sflag:s0] =	ssyncset.done @!p0 $0x0  }
0x59: {  	[sflag:s0] =	ssyncadd.s32 @!p0 s1  }
0x5a: {  	[bflag:$0x3] =	sbarrier.arrive $0xFFFF  }
0x5b: {  	_ =	shalt  }

// kernel: kernel.9.cloned.1.call-start
scs
__scs_entry_jumppad:
0x0: {  	(pc) =	sbr.rel $0x88, $3  }
0x1: {  	(tag) =	ssettag $0x0;
	lr =	simm.s32 $0x1  }
0x2: {  	[smem:$0x3F8B] =	sst lr;
	_ =	strace $0xD0000000  }
0x3: {  	_ = 	snop  }
0x4: {  	_ = 	snop  }
0x5: {  	_ = 	snop  }
0x6: {  	_ = 	snop  }
0x7: {  	_ = 	snop  }
__scs_overlays_trampoline_lowered:
0x8: {  	[smem:$0x3F9A] =	sst s0  }
0x9: {  	[smem:$0x3F9B] =	sst s1  }
0xa: {  	[smem:$0x3F9C] =	sst s2  }
0xb: {  	[smem:$0x3F9D] =	sst s3  }
0xc: {  	[smem:$0x3F9E] =	sst s4  }
0xd: {  	[smem:$0x3F9F] =	sst s5  }
0xe: {  	[smem:$0x3FA0] =	sst s6  }
0xf: {  	[smem:$0x3FA1] =	sst s7  }
0x10: {  	[smem:$0x3FA2] =	sst s8  }
0x11: {  	[smem:$0x3FA3] =	sst s9;
	s0 =	simm.s32 @!p0 $0x0  }
0x12: {  	s1 =	sld [smem:$0x3F89];
	s0 =	simm.s32 @p0 $0x1  }
0x13: {  	[smem:$0x3FA4] =	sst s0;
	s0 =	simm.s32 @!p1 $0x0  }
0x14: {  	s2 =	sld [smem:$0x3F88];
	s0 =	simm.s32 @p1 $0x1  }
0x15: {  	[smem:$0x3FA5] =	sst s0;
	s0 =	simm.s32 @!p2 $0x0  }
0x16: {  	s3 =	sld [smem:$0x3FDB];
	s0 =	simm.s32 @p2 $0x1  }
0x17: {  	s4 =	simm.s32 $0x1BF5;
	[smem:$0x3FA7] =	sst s0  }
0x18: {  	s0 =	sld [smem:$0x3F8A];
	_ =	swait.ge [sflag:s4], $0x0  }
0x19: {  	s7 =	sld [smem:$0x3F8B]  }
0x1a: {  	s8 =	sadd.s32 $0xFFFFE003, lr  }
0x1b: {  	s9 =	sadd.s32 $0xFFFFFEF7, lr;
	s5 =	simm.s32 $0xFFFFFFFF;
	p2 =	slt.u32 s8, $0xFFFFF086  }
0x1c: {  	p1 =	slt.u32 s9, $0xF7A;
	s5 =	simm.s32 @!p2 $0x0  }
0x1d: {  	s5 =	simm.s32 @p1 $0x1;
	p0 =	seq.s32 s7, s2  }
0x1e: {  	s7 =	smul.u32 @!p0 $0xF7A, s2;
	p2 =	seq.s32 @!p0 s5, $0x0  }
0x1f: {  	s9 =	smul.u32 $0xF7A, s1;
	s8 =	simm.s32 @!p0 $0x1BF5;
	p2 =	por !p2, p0  }
0x20: {  	[sflag:s8] =	ssyncset.s32 @!p0 $0xFFFFF086;
	s6 =	sadd.s32 @!p0 s3, s7;
	s7 =	simm.s32 @!p0 $0x108  }
0x21: {  	s3 =	sadd.s32 s3, s9;
	s6 =	sadd.s32 @!p0 $0x88, s6;
	s7 =	simm.s32 @p2 $0x1082  }
0x22: {  	[simem:s7], [sflag:s8] =	dma.local @!p0 [hbm:s6], $0xF7A  }
0x23: {  	s9 =	sor.u32 $0xD0000000, s2;
	s6 =	simm.s32 $0x108;
	_ =	swait.ge @!p0 [sflag:s8], $0x0  }
0x24: {  	s3 =	sadd.s32 $0x88, s3;
	s6 =	simm.s32 @!p1 $0x1082;
	[sflag:s4] =	ssyncset.s32 $0xFFFFF086  }
0x25: {  	[simem:s6], [sflag:s4] =	dma.local [hbm:s3], $0xF7A  }
0x26: {  	[smem:$0x3F8B] =	sst s1;
	(tag) =	ssettag s2;
	_ =	strace s9  }
0x27: {  	s1 =	sld [smem:$0x3F9B]  }
0x28: {  	s2 =	sld [smem:$0x3F9C]  }
0x29: {  	s4 =	sld [smem:$0x3F9E]  }
0x2a: {  	p0 =	seq.s32 s5, $0x0;
	s5 =	sld [smem:$0x3F9F]  }
0x2b: {  	s6 =	sld [smem:$0x3FA0]  }
0x2c: {  	s7 =	sld [smem:$0x3FA1]  }
0x2d: {  	s3 =	simm.s32 $0x108;
	s8 =	sld [smem:$0x3FA2]  }
0x2e: {  	s3 =	simm.s32 @!p0 $0x1082;
	s9 =	sld [smem:$0x3FA3]  }
0x2f: {  	lr =	sadd.s32 s0, s3;
	s0 =	sld [smem:$0x3F9A]  }
0x30: {  	s3 =	sld [smem:$0x3F9D]  }
0x31: {  	[smem:$0x3FA6] =	sst s10  }
0x32: {  	s10 =	sld [smem:$0x3FA4];
	_ =	sdelay $0x3  }
0x33: {  	p0 =	seq.s32 s10, $0x1;
	s10 =	sld [smem:$0x3FA6];
	_ =	sdelay $0x3  }
0x34: {  	[smem:$0x3FA6] =	sst s10  }
0x35: {  	s10 =	sld [smem:$0x3FA5];
	_ =	sdelay $0x3  }
0x36: {  	p1 =	seq.s32 s10, $0x1;
	s10 =	sld [smem:$0x3FA6];
	_ =	sdelay $0x3  }
0x37: {  	[smem:$0x3FA6] =	sst s10  }
0x38: {  	s10 =	sld [smem:$0x3FA7]  }
0x39: {  	_ = 	snop;
	(pc) =	sbr.ind lr, $3  }
0x3a: {  	_ = 	snop  }
0x3b: {  	_ = 	snop  }
0x3c: {  	p2 =	seq.s32 s10, $0x1;
	s10 =	sld [smem:$0x3FA6]  }
0x3d: {  	_ =	shalt  }
0x3e: {  	_ =	shalt  }
0x3f: {  	_ =	shalt  }
0x40: {  	_ =	shalt  }
0x41: {  	_ =	shalt  }
0x42: {  	_ =	shalt  }
0x43: {  	_ =	shalt  }
0x44: {  	_ =	shalt  }
0x45: {  	_ =	shalt  }
0x46: {  	_ =	shalt  }
0x47: {  	_ =	shalt  }
0x48: {  	_ =	shalt  }
0x49: {  	_ =	shalt  }
0x4a: {  	_ =	shalt  }
0x4b: {  	_ =	shalt  }
0x4c: {  	_ =	shalt  }
0x4d: {  	_ =	shalt  }
0x4e: {  	_ =	shalt  }
0x4f: {  	_ =	shalt  }
0x50: {  	_ =	shalt  }
0x51: {  	_ =	shalt  }
0x52: {  	_ =	shalt  }
0x53: {  	_ =	shalt  }
0x54: {  	_ =	shalt  }
0x55: {  	_ =	shalt  }
0x56: {  	_ =	shalt  }
0x57: {  	_ =	shalt  }
0x58: {  	_ =	shalt  }
0x59: {  	_ =	shalt  }
0x5a: {  	_ =	shalt  }
0x5b: {  	_ =	shalt  }
0x5c: {  	_ =	shalt  }
0x5d: {  	_ =	shalt  }
0x5e: {  	_ =	shalt  }
0x5f: {  	_ =	shalt  }
0x60: {  	_ =	shalt  }
0x61: {  	_ =	shalt  }
0x62: {  	_ =	shalt  }
0x63: {  	_ =	shalt  }
0x64: {  	_ =	shalt  }
0x65: {  	_ =	shalt  }
0x66: {  	_ =	shalt  }
0x67: {  	_ =	shalt  }
0x68: {  	_ =	shalt  }
0x69: {  	_ =	shalt  }
0x6a: {  	_ =	shalt  }
0x6b: {  	_ =	shalt  }
0x6c: {  	_ =	shalt  }
0x6d: {  	_ =	shalt  }
0x6e: {  	_ =	shalt  }
0x6f: {  	_ =	shalt  }
0x70: {  	_ =	shalt  }
0x71: {  	_ =	shalt  }
0x72: {  	_ =	shalt  }
0x73: {  	_ =	shalt  }
0x74: {  	_ =	shalt  }
0x75: {  	_ =	shalt  }
0x76: {  	_ =	shalt  }
0x77: {  	_ =	shalt  }
0x78: {  	_ =	shalt  }
0x79: {  	_ =	shalt  }
0x7a: {  	_ =	shalt  }
0x7b: {  	_ =	shalt  }
0x7c: {  	_ =	shalt  }
0x7d: {  	_ =	shalt  }
0x7e: {  	_ =	shalt  }
0x7f: {  	_ =	shalt  }
0x80: {  	_ =	shalt  }
0x81: {  	_ =	shalt  }
0x82: {  	_ =	shalt  }
0x83: {  	_ =	shalt  }
0x84: {  	_ =	shalt  }
0x85: {  	_ =	shalt  }
0x86: {  	_ =	shalt  }
0x87: {  	_ =	shalt  }
.Lfunc_end0:
.L_simem_size_0:
called_computation.1_lowered:
.L_overlay_start_0:
0x88: {  	s2 =	sld [smem:$0x3FD9]  }
0x89: {  	s3 =	sld [smem:$0x3FFE];
	_ =	sdelay $0x1  }
0x8a: {  	s1 =	srdreg.scid  }
0x8b: {  	s0 =	sand.u32 $0x1, s1  }
0x8c: {  	s17 =	sshll.u32 s0, $0xA;
	s2 =	sadd.s32 s3, s2  }
0x8d: {  	s2 =	sadd.s32 s2, s17  }
0x8e: {  	[smem:$0x3FB2] =	sst s2  }
0x8f: {  	_ = 	snop  }
0x90: {  	s18 =	sld [smem:$0x3FC7]  }
0x91: {  	s4 =	sld [smem:$0x3FC6]  }
0x92: {  	s5 =	sld [smem:$0x3FD0];
	(tm) =	ssettm $0x1  }
0x93: {  	s19 =	sld [smem:$0x3FFB];
	_ =	sdelay $0x3  }
0x94: {  	_ =	strace s19  }
0x95: {  	s2 =	sld [smem:$0x3FFC];
	_ =	sdelay $0x3  }
0x96: {  	_ =	strace s2  }
0x97: {  	s2 =	sld [smem:$0x3FFD];
	_ =	sdelay $0x3  }
0x98: {  	_ =	strace s2  }
0x99: {  	_ =	strace $0x8FFFFFFF  }
0x9a: {  	s20 =	sld [smem:$0x3FDB];
	_ =	sdelay $0x1  }
0x9b: {  	s6 =	simm.s32 $_scs_section_size  }
0x9c: {  	s7 =	simm.s32 $_size__tile_overlayer_lowered;
	s8 =	simm.s32 $_tile_overlayer_lowered  }
0x9d: {  	s9 =	simm.s32 $0x1BFF;
	s21 =	sshll.u32 s8, $0x1;
	s6 =	sadd.s32 s6, s20  }
0x9e: {  	s22 =	simm.s32 $0x0;
	s7 =	sshll.u32 s7, $0x1;
	s8 =	sadd.s32 s21, s6  }
0x9f: {  	[timem:s22], [sflag:s9] =	dma.local [hbm:s8], s7  }
0xa0: {  	_ =	swait.ge [sflag:s9], s7  }
0xa1: {  	s7 =	ssub.s32 $0x0, s7;
	[sflag:s9] =	ssyncset.done $0x0  }
0xa2: {  	[sflag:s9] =	ssyncadd.s32 s7;
	_ =	sdelay $0x1  }
0xa3: {  	s23 =	simm.s32 $0x1B8B  }
0xa4: {  	_ =	swait.ge [sflag:s23], $0x1  }
0xa5: {  	[sflag:s23] =	ssyncset.done $0x0  }
0xa6: {  	[sflag:s23] =	ssyncadd.s32 $0xFFFFFFFF  }
0xa7: {  	s7 =	sld [smem:$0x0]  }
0xa8: {  	s8 =	sand.u32 $0xFFFFFFFE, s1  }
0xa9: {  	p0 =	sne.s32 s1, s8  }
0xaa: {  	s8 =	sshll.u32 @p0 s8, $0xE  }
0xab: {  	s8 =	sadd.s32 @p0 $0x11B8D, s8;
	s9 =	sshll.u32 @p0 s7, $0x11  }
0xac: {  	s8 =	sor.u32 @p0 s9, s8  }
0xad: {  	[sflag:s8] =	ssyncadd.remote.s32 @p0 $0x1;
	_ =	sdelay $0x1  }
0xae: {  	s8 =	simm.s32 @p0 $0x1B8D  }
0xaf: {  	_ =	swait.eq @p0 [sflag:s8], $0x1  }
0xb0: {  	[sflag:s8] =	ssyncadd.s32 @p0 $0xFFFFFFFF  }
0xb1: {  	s9 =	sshll.u32 @!p0 s1, $0xE  }
0xb2: {  	s9 =	sor.u32 @!p0 $0x4000, s9;
	s8 =	simm.s32 @!p0 $0x1B8D  }
0xb3: {  	s7 =	sshll.u32 @!p0 s7, $0x11;
	s9 =	sadd.s32 @!p0 $0x11B8D, s9;
	_ =	swait.eq @!p0 [sflag:s8], $0x1  }
0xb4: {  	s7 =	sor.u32 @!p0 s7, s9;
	[sflag:s8] =	ssyncadd.s32 @!p0 $0xFFFFFFFF  }
0xb5: {  	s25 =	simm.s32 $0x1B8E;
	s24 =	sld [smem:$0x3FFE];
	[sflag:s7] =	ssyncadd.remote.s32 @!p0 $0x1  }
0xb6: {  	s26 =	simm.s32 $execute0_lowered;
	[smem:$0x3FD2] =	sst s25  }
0xb7: {  	s8 =	sshll.u32 s26, $0x1;
	_ =	strace $0x80000049;
	[dreg:$0x1] =	wrdreg $0xFFFFFFFF  }
0xb8: {  	s28 =	simm.s32 $_size_execute0_lowered;
	s6 =	sadd.s32 s6, s8;
	[dreg:$0x0] =	wrdreg $0x0  }
0xb9: {  	s8 =	sshll.u32 s28, $0x1;
	[dreg:$0x2] =	wrdreg s6  }
0xba: {  	[dreg:$0x3] =	wrdreg s8  }
0xbb: {  	[dreg:$0x4] =	wrdreg $0xC0  }
0xbc: {  	_ =	task [dreg:s22], $0x5FFFF  }
0xbd: {  	[dreg:$0x1] =	wrdreg $0xFFFFFFFF  }
0xbe: {  	[dreg:$0x0] =	wrdreg $0x60  }
0xbf: {  	[dreg:$0x2] =	wrdreg s24  }
0xc0: {  	[dreg:$0x3] =	wrdreg s5  }
0xc1: {  	[dreg:$0x4] =	wrdreg s18  }
0xc2: {  	[dreg:$0x5] =	wrdreg s4  }
0xc3: {  	[dreg:$0x6] =	wrdreg $0xA  }
0xc4: {  	_ =	task.clear_ibuf [dreg:s22], $0x7FFFF;
	_ =	strace $0x90000049  }
0xc5: {  	s29 =	simm.s32 $0xA;
	_ =	strace $0x8000004B  }
0xc6: {  	_ =	swait.ge [sflag:s29], $0x1  }
0xc7: {  	[sflag:s29] =	ssyncadd.s32 $0xFFFFFFFF  }
0xc8: {  	_ =	strace $0x9000004B  }
0xc9: {  	_ =	sfence  }
0xca: {  	s30 =	sld [smem:$0x0];
	_ =	sdelay $0x2  }
0xcb: {  	s31 =	sshll.u32 s1, $0xD;
	s1 =	sshrl.u32 s1, $0x2  }
0xcc: {  	s4 =	sand.u32 $0x4000, s31;
	s1 =	sadd.s32 s1, s30  }
0xcd: {  	s0 =	sor.u32 s4, s0;
	s1 =	sshll.u32 s1, $0x11  }
0xce: {  	s0 =	sor.u32 s1, s0  }
0xcf: {  	s0 =	sadd.s32 $0x8F2B, s0  }
0xd0: {  	[sflag:s0] =	ssyncadd.remote.s32 $0x1  }
0xd1: {  	_ =	sfence.sel $0xFFFF  }
0xd2: {  	[dreg:$0x0] =	wrdreg $0xFFFFFFFF;
	(pc) =	sbr.abs _section_cstart, $3  }
0xd3: {  	[dreg:$0x1] =	wrdreg $0xFFFFFFFF  }
0xd4: {  	_ =	task.clear_ibuf [dreg:s22], $0x2FFFF;
	_ =	strace $0x9FFFFFFF  }
0xd5: {  	(tm) =	ssettm $0x7FFFFFFF  }
tec
execute0_lowered:
.L_overlay_start_1:
0x0: {  	(tag) =	ssettag $0x1  }
0x1: {  	s11 =	rddreg [dreg:$0x0]  }
0x2: {  	s12 =	rddreg [dreg:$0x1]  }
0x3: {  	s1 =	srdreg.scid;
	s0 =	stileid.u32  }
0x4: {  	s2 =	rddreg [dreg:$0x2];
	s13 =	sand.u32 $0x1, s1;
	s29 =	sshll.u32 s0, $0x1  }
0x5: {  	s3 =	rddreg [dreg:$0x3];
	s14 =	sor.u32 s13, s29  }
0x6: {  	s4 =	simm.s32 $0x0;
	s1 =	rddreg [dreg:$0x4];
	s15 =	sshll.u32 s14, $0x5  }
0x7: {  	[smem:$0x7FF] =	sst s4;
	s5 =	sadd.s32 s15, s11  }
0x8: {  	_ =	strace $0x8000004A;
	s6 =	sadd.s32 $0x44A00, s5;
	s5 =	simm.s32 $0x2  }
0x9: {  	[tilespmem:s4], [sflag:$0x2] =	stream.linear.gather [hbm4b:s6+s4], $0x100, $0x38;
	[tilespmem:$0x8100] =	vst v63  }
0xa: {  	_ =	swait.ge [sflag:s5], $0x100  }
0xb: {  	[sflag:s5] =	ssyncset.done $0x0  }
0xc: {  	s7 =	simm.s32 $0x80;
	s8 =	simm.s32 $0x100;
	[sflag:s5] =	ssyncadd.s32 $0xFFFFFF00  }
0xd: {  	[tilespmem:s8], [sflag:$0x1] =	stream.indirect.gather [hbm4b:s2+s7], $0x80, s4, s7, $0xb8;
	[tilespmem:$0x8100] =	vst v63  }
0xe: {  	s9 =	simm.s32 $0x4100;
	s10 =	simm.s32 $0x1  }
0xf: {  	[tilespmem:s9], [sflag:$0x1] =	stream.indirect.gather [hbm4b:s2+s7], $0x80, s7, s7, $0xb8;
	[tilespmem:$0x8100] =	vst v63  }
0x10: {  	_ =	swait.ge [sflag:s10], $0x4000  }
0x11: {  	[sflag:s10] =	ssyncset.done $0x0  }
0x12: {  	[sflag:s10] =	ssyncadd.s32 $0xFFFFC000  }
0x13: {  	s14 =	sshll.u32 s14, $0xC;
	_ =	swait.ge [sflag:s10], $0x4000  }
0x14: {  	s14 =	sadd.s32 s14, s11;
	[sflag:s10] =	ssyncset.done $0x0  }
0x15: {  	s11 =	sadd.s32 $0x44E00, s14;
	[sflag:s10] =	ssyncadd.s32 $0xFFFFC000  }
0x16: {  	[hbm4b:s11+s4] =	stream.linear.scatter [tilespmem:s8], [sflag:$0x2], $0x8000, $0x38;
	[tilespmem:$0x8100] =	vst v63  }
0x17: {  	_ =	swait.ge [sflag:s5], $0x8000  }
0x18: {  	[sflag:s5] =	ssyncset.done $0x0  }
0x19: {  	s12 =	sadd.s32 s12, s15;
	[sflag:s5] =	ssyncadd.s32 $0xFFFF8000  }
0x1a: {  	[tilespmem:s4], [sflag:$0x2] =	stream.linear.gather [hbm4b:s12+s4], $0x100, $0x38;
	[tilespmem:$0x8100] =	vst v63  }
0x1b: {  	_ =	swait.ge [sflag:s5], $0x100  }
0x1c: {  	[sflag:s5] =	ssyncset.done $0x0  }
0x1d: {  	[sflag:s5] =	ssyncadd.s32 $0xFFFFFF00  }
0x1e: {  	[tilespmem:s8], [sflag:$0x1] =	stream.indirect.gather [hbm4b:s3+s7], $0x80, s4, s7, $0xb8;
	[tilespmem:$0x8100] =	vst v63  }
0x1f: {  	s13 =	ssub.s32 $0x2, s13  }
0x20: {  	[tilespmem:s9], [sflag:$0x1] =	stream.indirect.gather [hbm4b:s3+s7], $0x80, s7, s7, $0xb8;
	[tilespmem:$0x8100] =	vst v63  }
0x21: {  	s30 =	sshrl.u32 s13, $0x1;
	_ =	swait.ge [sflag:s10], $0x4000  }
0x22: {  	s15 =	ssub.s32 s13, s30;
	[sflag:s10] =	ssyncset.done $0x0  }
0x23: {  	s31 =	smax.u32 s15, $0x1;
	[sflag:s10] =	ssyncadd.s32 $0xFFFFC000  }
0x24: {  	p0 =	sne.s32 s31, $0x1;
	_ =	swait.ge [sflag:s10], $0x4000  }
.Ltmp0:
0x25: {  	[sflag:s10] =	ssyncset.done $0x0;
	(pc) =	sbr.rel @!p0 .LBB2_2-.Ltmp0, $4  }
0x26: {  	s13 =	sadd.s32 $0x64E00, s14;
	[sflag:s10] =	ssyncadd.s32 $0xFFFFC000  }
0x27: {  	[hbm4b:s13+s4] =	stream.linear.scatter [tilespmem:s8], [sflag:$0x2], $0x8000, $0x38;
	[tilespmem:$0x8100] =	vst v63  }
0x28: {  	_ =	swait.ge [sflag:s5], $0x8000  }
0x29: {  	s14 =	sadd.s32 $0xFFFFFFFF, s31;
	[sflag:s5] =	ssyncset.done $0x0  }
.LBB2_1:
0x2a: {  	p0 =	sne.s32 s14, $0x1;
	s14 =	sadd.s32 $0xFFFFFFFF, s14;
	[sflag:s5] =	ssyncadd.s32 $0xFFFF8000  }
0x2b: {  	[tilespmem:s4], [sflag:$0x2] =	stream.linear.gather [hbm4b:s6+s4], $0x100, $0x38;
	[tilespmem:$0x8100] =	vst v63  }
0x2c: {  	_ =	swait.ge [sflag:s5], $0x100  }
0x2d: {  	[sflag:s5] =	ssyncset.done $0x0  }
0x2e: {  	[sflag:s5] =	ssyncadd.s32 $0xFFFFFF00  }
0x2f: {  	[tilespmem:s8], [sflag:$0x1] =	stream.indirect.gather [hbm4b:s2+s7], $0x80, s4, s7, $0xb8;
	[tilespmem:$0x8100] =	vst v63  }
0x30: {  	_ = 	snop  }
0x31: {  	[tilespmem:s9], [sflag:$0x1] =	stream.indirect.gather [hbm4b:s2+s7], $0x80, s7, s7, $0xb8;
	[tilespmem:$0x8100] =	vst v63  }
0x32: {  	_ =	swait.ge [sflag:s10], $0x4000  }
0x33: {  	[sflag:s10] =	ssyncset.done $0x0  }
0x34: {  	[sflag:s10] =	ssyncadd.s32 $0xFFFFC000  }
0x35: {  	_ =	swait.ge [sflag:s10], $0x4000  }
0x36: {  	[sflag:s10] =	ssyncset.done $0x0  }
0x37: {  	[sflag:s10] =	ssyncadd.s32 $0xFFFFC000  }
0x38: {  	[hbm4b:s11+s4] =	stream.linear.scatter [tilespmem:s8], [sflag:$0x2], $0x8000, $0x38;
	[tilespmem:$0x8100] =	vst v63  }
0x39: {  	_ =	swait.ge [sflag:s5], $0x8000  }
0x3a: {  	[sflag:s5] =	ssyncset.done $0x0  }
0x3b: {  	[sflag:s5] =	ssyncadd.s32 $0xFFFF8000  }
0x3c: {  	[tilespmem:s4], [sflag:$0x2] =	stream.linear.gather [hbm4b:s12+s4], $0x100, $0x38;
	[tilespmem:$0x8100] =	vst v63  }
0x3d: {  	_ =	swait.ge [sflag:s5], $0x100  }
0x3e: {  	[sflag:s5] =	ssyncset.done $0x0  }
0x3f: {  	[sflag:s5] =	ssyncadd.s32 $0xFFFFFF00  }
0x40: {  	[tilespmem:s8], [sflag:$0x1] =	stream.indirect.gather [hbm4b:s3+s7], $0x80, s4, s7, $0xb8;
	[tilespmem:$0x8100] =	vst v63  }
0x41: {  	_ = 	snop  }
0x42: {  	[tilespmem:s9], [sflag:$0x1] =	stream.indirect.gather [hbm4b:s3+s7], $0x80, s7, s7, $0xb8;
	[tilespmem:$0x8100] =	vst v63  }
0x43: {  	_ =	swait.ge [sflag:s10], $0x4000  }
0x44: {  	[sflag:s10] =	ssyncset.done $0x0  }
0x45: {  	[sflag:s10] =	ssyncadd.s32 $0xFFFFC000  }
0x46: {  	_ =	swait.ge [sflag:s10], $0x4000  }
.Ltmp1:
0x47: {  	[sflag:s10] =	ssyncset.done $0x0;
	(pc) =	sbr.rel @p0 .LBB2_1-.Ltmp1, $4  }
0x48: {  	[sflag:s10] =	ssyncadd.s32 $0xFFFFC000  }
0x49: {  	[hbm4b:s13+s4] =	stream.linear.scatter [tilespmem:s8], [sflag:$0x2], $0x8000, $0x38;
	[tilespmem:$0x8100] =	vst v63  }
0x4a: {  	_ =	swait.ge [sflag:s5], $0x8000  }
0x4b: {  	[sflag:s5] =	ssyncset.done $0x0  }
.LBB2_2:
0x4c: {  	[sflag:s5] =	ssyncadd.s32 $0xFFFF8000  }
0x4d: {  	_ =	sfence.sel $0x180000  }
0x4e: {  	[bflag:$0x0] =	sbarrier.arrive $0xFFFF  }
0x4f: {  	p0 =	sne.s32 s0, $0x0;
	_ =	strace $0x9000004A  }
0x50: {  	s0 =	sadd.s32 @!p0 $0x100000, s1;
	[bflag:$0x2] =	sbarrier.arrive $0xFFFF  }
0x51: {  	[sflag:s0] =	ssyncadd.tile.s32 @!p0 $0x1;
	_ =	shalt  }
.Lfunc_end2:
_tile_overlayer_lowered:
.L_overlay_start_2:
0x52: {  	(tag) =	ssettag $0x2  }
0x53: {  	s0 =	rddreg [dreg:$0x0];
	s2 =	stileid.u32  }
0x54: {  	s1 =	rddreg [dreg:$0x1];
	p0 =	sne.s32 s2, $0x0  }
0x55: {  	s3 =	rddreg [dreg:$0x2];
	[bflag:$0x3] =	sbarrier.arrive $0xFFFF;
	s2 =	simm.s32 @!p0 $0x1C02  }
0x56: {  	[timem:s3], [sflag:s2] =	dma.local @!p0 [hbm:s0], s1  }
0x57: {  	s0 =	simm.s32 @!p0 $0x2  }
0x58: {  	_ =	swait.ge @!p0 [sflag:s0], s1  }
0x59: {  	s1 =	ssub.s32 @!p0 $0x0, s1;
	[sflag:s0] =	ssyncset.done @!p0 $0x0  }
0x5a: {  	[sflag:s0] =	ssyncadd.s32 @!p0 s1  }
0x5b: {  	[bflag:$0x3] =	sbarrier.arrive $0xFFFF  }
0x5c: {  	_ =	shalt  }

</sc_bundles>
